<compile_context>
chip_gen: v7x
topology: tpu7x:2x2x1
jax: 0.10.2.dev20260603
libtpu: 0.0.44.dev20260713+nightly
codegen_flags: <defaults>
</compile_context>

<pallas_src>
import functools

import jax
import jax.numpy as jnp
from jax import lax
from jax.experimental import pallas as pl
from jax.experimental.pallas import tpu as pltpu
from jax.experimental.pallas import tpu_sc as plsc

_B, _P, _S, _H, _N = 64, 10, 20, 128, 128
_BP = _B * _P
_L = 16
_NW = 32
_CHUNKS = _BP // _L

_OFF_BM = 0
_OFF_BI = 128
_OFF_BH = 512
_OFF_NPX = 896
_OFF_NPY = 1024
_OFF_ST = 1152
_OFF_EN = 1216
_OFF_VA = 1280
_OFF_P2B = 1344
_PACK_LEN = 1984
_SC_LEN = _PACK_LEN - _OFF_NPX


def _sc_body(pack_hbm, lanes_hbm, mask_out, pack_v, ch_v, outm_v,
             sem_p, sem_l):
    wid = lax.axis_index("s") * 2 + lax.axis_index("c")
    cp_p = pltpu.async_copy(pack_hbm.at[pl.ds(_OFF_NPX, _SC_LEN)],
                            pack_v, sem_p)
    cp_l = pltpu.async_copy(lanes_hbm.at[wid], ch_v, sem_l)
    cp_p.wait()
    cp_l.wait()

    def _do_chunk(c, first):
        if not first:
            pltpu.sync_copy(lanes_hbm.at[c], ch_v)
        pair = lax.broadcasted_iota(jnp.int32, (_L,), 0) + c * _L
        b_ids = plsc.load_gather(
            pack_v, [pair + (_OFF_P2B - _OFF_NPX)]).astype(jnp.int32)
        sidx_f = plsc.load_gather(pack_v, [b_ids + (_OFF_ST - _OFF_NPX)])
        eidx_f = plsc.load_gather(pack_v, [b_ids + (_OFF_EN - _OFF_NPX)])
        vld_f = plsc.load_gather(pack_v, [b_ids + (_OFF_VA - _OFF_NPX)])
        sidx = sidx_f.astype(jnp.int32)
        npx = plsc.load_gather(pack_v, [sidx])
        npy = plsc.load_gather(pack_v, [sidx + (_OFF_NPY - _OFF_NPX)])
        cond = jnp.logical_and(vld_f > 0.0, (eidx_f - sidx_f) > 0.0)
        d2min = jnp.full((_L,), 3.4e38, jnp.float32)
        nan_any = jnp.zeros((_L,), jnp.bool_)
        for s in range(_S):
            lxs = ch_v[s]
            lys = ch_v[_S + s]
            nan_any = nan_any | (lxs != lxs) | (lys != lys)
            dx = npx - lxs
            dy = npy - lys
            d2min = jnp.minimum(d2min, dx * dx + dy * dy)
        d2 = jnp.where(nan_any, npx * npx + npy * npy, d2min)
        keep = jnp.logical_and(cond, d2 < 10000.0)
        outm_v[0] = jnp.where(keep, 1.0, 0.0).astype(jnp.float32)
        pltpu.sync_copy(outm_v, mask_out.at[c])

    _do_chunk(wid, True)

    @pl.when(wid < _CHUNKS - _NW)
    def _second_round():
        _do_chunk(wid + _NW, False)


_sc_kernel = functools.partial(
    pl.kernel,
    out_type=jax.ShapeDtypeStruct((_CHUNKS, 1, _L), jnp.float32),
    mesh=plsc.VectorSubcoreMesh(core_axis_name="c", subcore_axis_name="s"),
    compiler_params=pltpu.CompilerParams(use_tc_tiling_on_sc=False,
                                         needs_layout_passes=False),
    scratch_types=[
        pltpu.VMEM((_SC_LEN,), jnp.float32),
        pltpu.VMEM((2 * _S, _L), jnp.float32),
        pltpu.VMEM((1, _L), jnp.float32),
        pltpu.SemaphoreType.DMA,
        pltpu.SemaphoreType.DMA,
    ],
)(_sc_body)


def _dn(a, b):
    return jax.lax.dot_general(a, b, (((1,), (1,)), ((), ())),
                               preferred_element_type=jnp.float32)


def _tc_body(B, P, S, H, N,
             pack_ref, actx_ref, nctx_tab_ref, mask_ref,
             Wm_ref, Wih_ref, Whh_ref, out_ref):
    BP = B * P
    pack = pack_ref[...]
    bm = pack[_OFF_BM:_OFF_BM + H]
    bi = pack[_OFF_BI:_OFF_BI + 3 * H]
    bh = pack[_OFF_BH:_OFF_BH + 3 * H]
    npx_tab = pack[_OFF_NPX:_OFF_NPX + N].reshape(1, N)
    npy_tab = pack[_OFF_NPY:_OFF_NPY + N].reshape(1, N)
    starts = pack[_OFF_ST:_OFF_ST + B].reshape(1, B)

    iota_n = jax.lax.broadcasted_iota(jnp.int32, (N, B), 0).astype(jnp.float32)
    onehotT = (iota_n == starts).astype(jnp.float32)

    nctx = jax.lax.dot_general(onehotT, nctx_tab_ref[...],
                               (((0,), (0,)), ((), ())),
                               preferred_element_type=jnp.float32)
    npx_row = jnp.dot(npx_tab, onehotT, preferred_element_type=jnp.float32)
    npy_row = jnp.dot(npy_tab, onehotT, preferred_element_type=jnp.float32)
    npxy = jnp.concatenate([jnp.transpose(npx_row), jnp.transpose(npy_row)],
                           axis=1)

    actx = actx_ref[...]
    Wm = Wm_ref[...]
    xg = (_dn(nctx, Wm[:, 2:2 + H]) + _dn(actx, Wm[:, 2 + H:])
          + _dn(-npxy, Wm[:, 0:2]) + bm)
    x = jnp.maximum(xg, 0.0)

    gi = _dn(x, Wih_ref[...]) + bi
    gh = _dn(nctx, Whh_ref[...]) + bh
    r_g = jax.nn.sigmoid(gi[:, :H] + gh[:, :H])
    z = jax.nn.sigmoid(gi[:, H:2 * H] + gh[:, H:2 * H])
    n_g = jnp.tanh(gi[:, 2 * H:] + r_g * gh[:, 2 * H:])
    r = (1.0 - z) * n_g + z * nctx

    iota_p = jax.lax.broadcasted_iota(jnp.int32, (BP, B), 0)
    iota_b = jax.lax.broadcasted_iota(jnp.int32, (BP, B), 1)
    rep = jnp.logical_and(iota_p >= P * iota_b,
                          iota_p < P * iota_b + P).astype(jnp.float32)
    r_rep = jnp.dot(rep, r, preferred_element_type=jnp.float32)

    keep = mask_ref[...].reshape(BP, 1) > 0.5
    out_ref[...] = jnp.where(keep, r_rep, 0.0).reshape(B, P, H)


def kernel(agent_pos, agent_context, ngh_pos, ngh_context, possible_lanes,
           lane_context, label, seq_start_end, valid_neighbor,
           W_msg, b_msg, W_ih, W_hh, b_ih, b_hh):
    B, P, H = lane_context.shape
    S = possible_lanes.shape[0]
    N = ngh_context.shape[0]

    pack = jnp.concatenate([
        b_msg, b_ih, b_hh,
        ngh_pos[:, 0], ngh_pos[:, 1],
        seq_start_end[:, 0].astype(jnp.float32),
        seq_start_end[:, 1].astype(jnp.float32),
        valid_neighbor.astype(jnp.float32),
        (jnp.arange(B * P, dtype=jnp.int32) // P).astype(jnp.float32),
    ])
    lxc = possible_lanes[:, :, 0].reshape(S, _CHUNKS, _L).transpose(1, 0, 2)
    lyc = possible_lanes[:, :, 1].reshape(S, _CHUNKS, _L).transpose(1, 0, 2)
    lanes_sc = jnp.concatenate([lxc, lyc], axis=1)

    mask3 = _sc_kernel(pack, lanes_sc)

    body = functools.partial(_tc_body, B, P, S, H, N)
    out2 = pl.pallas_call(
        body,
        out_shape=jax.ShapeDtypeStruct((B, P, H), jnp.float32),
    )(pack, agent_context, ngh_context, mask3.reshape(B * P), W_msg,
      W_ih, W_hh)

    return (lane_context, out2)

# --- scband reference (transcript-rebuilt; emitter-appended) ---
"""Pipeline reference for scband-v2-i-82952998355463 (READ-ONLY COPY).

The authoritative reference and input builder live on the scoring server;
editing this copy changes nothing except your own understanding.
"""

import jax, jax.numpy as jnp
import numpy as np


def _mlp(x, W, b):
    # Linear(2h+2 -> h, bias) + ReLU + Dropout(p=0) (identity in eval)
    return jax.nn.relu(x @ W.T + b)


def _gru_cell(x, h, W_ih, W_hh, b_ih, b_hh):
    # torch.nn.GRU single step, single layer
    gi = x @ W_ih.T + b_ih
    gh = h @ W_hh.T + b_hh
    i_r, i_z, i_n = jnp.split(gi, 3, axis=-1)
    h_r, h_z, h_n = jnp.split(gh, 3, axis=-1)
    r = jax.nn.sigmoid(i_r + h_r)
    z = jax.nn.sigmoid(i_z + h_z)
    n = jnp.tanh(i_n + r * h_n)
    return (1.0 - z) * n + z * h


def _gnn(nodes_pos, nodes, W_msg, b_msg, W_ih, W_hh, b_ih, b_hh):
    n = nodes.shape[0]
    pooled = []
    for a in range(n):
        m_in = jnp.concatenate([
            nodes_pos - nodes_pos[a][None, :],
            jnp.tile(nodes[a][None, :], (n, 1)),
            nodes,
        ], axis=1)
        msg = _mlp(m_in, W_msg, b_msg)
        # sum over all rows except row a (matches torch's explicit exclusion)
        pooled.append(jnp.sum(msg, axis=0) - msg[a])
    gru_in = jnp.stack(pooled, axis=0)
    return _gru_cell(gru_in, nodes, W_ih, W_hh, b_ih, b_hh)


def setup_inputs(seed: int = 0) -> dict:
    key = jax.random.key(seed)
    ks = jax.random.split(key, 12)
    B, P, S, H, N = 64, 10, 20, 128, 128
    inp = {}
    inp["agent_pos"] = jax.random.normal(ks[0], (B, 2), jnp.float32)
    inp["agent_context"] = jax.random.normal(ks[1], (B, H), jnp.float32)
    inp["ngh_pos"] = jax.random.normal(ks[2], (N, 2), jnp.float32)
    inp["ngh_context"] = jax.random.normal(ks[3], (N, H), jnp.float32)
    inp["possible_lanes"] = jax.random.normal(ks[4], (S, B * P, 2), jnp.float32)
    inp["lane_context"] = jax.random.normal(ks[5], (B, P, H), jnp.float32)
    inp["label"] = jnp.zeros((B, P), jnp.float32)
    inp["seq_start_end"] = jnp.arange(2 * B, dtype=jnp.int32).reshape(B, 2)
    inp["valid_neighbor"] = jnp.ones((B,), jnp.bool_)
    # learned parameters
    inp["W_msg"] = 0.05 * jax.random.normal(ks[6], (H, 2 * H + 2), jnp.float32)
    inp["b_msg"] = 0.05 * jax.random.normal(ks[7], (H,), jnp.float32)
    inp["W_ih"] = 0.05 * jax.random.normal(ks[8], (3 * H, H), jnp.float32)
    inp["W_hh"] = 0.05 * jax.random.normal(ks[9], (3 * H, H), jnp.float32)
    inp["b_ih"] = 0.05 * jax.random.normal(ks[10], (3 * H,), jnp.float32)
    inp["b_hh"] = 0.05 * jax.random.normal(ks[11], (3 * H,), jnp.float32)
    return inp


def reference(agent_pos, agent_context, ngh_pos, ngh_context, possible_lanes,
              lane_context, label, seq_start_end, valid_neighbor,
              W_msg, b_msg, W_ih, W_hh, b_ih, b_hh):
    ngh_dist_thr = 100.0
    B, P, H = lane_context.shape
    # lane_context_recon: zeros + lane_feat per (b,l) == lane_context
    lane_context_recon = lane_context + 0.0
    rows = []
    for b in range(B):
        n_ngh = seq_start_end[b, 1] - seq_start_end[b, 0]
        cond = jnp.logical_and(valid_neighbor[b], n_ngh > 0)
        # this configuration guarantees exactly one neighbor per agent
        start = seq_start_end[b, 0]
        npos = ngh_pos[start]
        nctx = ngh_context[start]
        nodes_pos = jnp.concatenate([jnp.zeros((1, 2), jnp.float32), npos[None, :]], axis=0)
        nodes = jnp.stack([agent_context[b], nctx], axis=0)
        gout = _gnn(nodes_pos, nodes, W_msg, b_msg, W_ih, W_hh, b_ih, b_hh)
        r = gout[1]  # sum over neighbor nodes (only one here)
        lrows = []
        for l in range(P):
            cur_lane = possible_lanes[:, b * P + l, :]
            cur_lane = jnp.where(jnp.any(jnp.isnan(cur_lane)), jnp.zeros_like(cur_lane), cur_lane)
            dist = jnp.min(jnp.sqrt(jnp.sum((npos[None, :] - cur_lane) ** 2, axis=1)))
            keep = jnp.logical_and(cond, dist < ngh_dist_thr)
            lrows.append(jnp.where(keep, r, jnp.zeros_like(r)))
        rows.append(jnp.stack(lrows, axis=0))
    ngh_context_wrt_lane = jnp.stack(rows, axis=0)
    return (lane_context_recon, ngh_context_wrt_lane)

if __name__ == "__main__":
    import jax
    _d = setup_inputs()
    print(jax.jit(kernel)(*tuple(_d.values())))

</pallas_src>

<mosaic_0001>
#map = affine_map<(d0, d1) -> (0)>
#map1 = affine_map<(d0, d1) -> (0, 0, 0)>
module attributes {stable_mosaic.version = 14 : i64} {
  func.func @_sc_body(%arg0: i32, %arg1: i32, %arg2: memref<1984xf32, #tpu.memory_space<hbm>>, %arg3: memref<40x40x16xf32, #tpu.memory_space<hbm>>, %arg4: memref<40x1x16xf32, #tpu.memory_space<hbm>>, %arg5: memref<1088xf32, #tpu.memory_space<vmem>>, %arg6: memref<40x16xf32, #tpu.memory_space<vmem>>, %arg7: memref<1x16xf32, #tpu.memory_space<vmem>>, %arg8: memref<!tpu.dma_semaphore, #tpu.memory_space<semaphore_mem>>, %arg9: memref<!tpu.dma_semaphore, #tpu.memory_space<semaphore_mem>>) attributes {dimension_semantics = [#tpu.dimension_semantics<core_parallel>, #tpu.dimension_semantics<subcore_parallel>], iteration_bounds = array<i64: 2, 16>, scalar_prefetch = 0 : i64, scratch_operands = 5 : i64, tpu.core_type = #tpu.core_type<sc_vector_subcore>, window_params = [{transform_indices = #map}, {transform_indices = #map1}, {transform_indices = #map1}]} {
    %mul3A = arith.constant 2 : i32
    %mul3A_0 = arith.muli %arg1, %mul3A : i32
    %add3A = arith.addi %mul3A_0, %arg0 : i32
    %dma_start3A = arith.constant 896 : i32
    %dma_start3A_1 = tpu.memref_slice %arg2[%dma_start3A] : memref<1984xf32, #tpu.memory_space<hbm>> -> memref<1088xf32, #tpu.memory_space<hbm>>
    %dma_start3A_2 = arith.constant 896 : i32
    %dma_start3A_3 = tpu.memref_slice %arg2[%dma_start3A_2] : memref<1984xf32, #tpu.memory_space<hbm>> -> memref<1088xf32, #tpu.memory_space<hbm>>
    tpu.enqueue_dma source(%dma_start3A_3 : memref<1088xf32, #tpu.memory_space<hbm>>) target(%arg5 : memref<1088xf32, #tpu.memory_space<vmem>>) target_semaphore(%arg8 : memref<!tpu.dma_semaphore, #tpu.memory_space<semaphore_mem>>)
    %dma_start3A_4 = arith.constant 0 : i32
    %dma_start3A_5 = arith.constant 0 : i32
    %dma_start3A_6 = tpu.memref_slice %arg3[%add3A, %dma_start3A_4, %dma_start3A_5] : memref<40x40x16xf32, #tpu.memory_space<hbm>> -> memref<1x40x16xf32, #tpu.memory_space<hbm>>
    %dma_start3A_7 = tpu.memref_squeeze %dma_start3A_6 : memref<1x40x16xf32, #tpu.memory_space<hbm>> -> memref<40x16xf32, #tpu.memory_space<hbm>>
    %dma_start3A_8 = arith.constant 0 : i32
    %dma_start3A_9 = arith.constant 0 : i32
    %dma_start3A_10 = tpu.memref_slice %arg3[%add3A, %dma_start3A_8, %dma_start3A_9] : memref<40x40x16xf32, #tpu.memory_space<hbm>> -> memref<1x40x16xf32, #tpu.memory_space<hbm>>
    %dma_start3A_11 = tpu.memref_squeeze %dma_start3A_10 : memref<1x40x16xf32, #tpu.memory_space<hbm>> -> memref<40x16xf32, #tpu.memory_space<hbm>>
    tpu.enqueue_dma source(%dma_start3A_11 : memref<40x16xf32, #tpu.memory_space<hbm>>) target(%arg6 : memref<40x16xf32, #tpu.memory_space<vmem>>) target_semaphore(%arg9 : memref<!tpu.dma_semaphore, #tpu.memory_space<semaphore_mem>>)
    %dma_wait3A = arith.constant 896 : i32
    %dma_wait3A_12 = tpu.memref_slice %arg2[%dma_wait3A] : memref<1984xf32, #tpu.memory_space<hbm>> -> memref<1088xf32, #tpu.memory_space<hbm>>
    %dma_wait3A_13 = arith.constant 896 : i32
    %dma_wait3A_14 = tpu.memref_slice %arg2[%dma_wait3A_13] : memref<1984xf32, #tpu.memory_space<hbm>> -> memref<1088xf32, #tpu.memory_space<hbm>>
    tpu.wait_dma2 semaphore(%arg8 : memref<!tpu.dma_semaphore, #tpu.memory_space<semaphore_mem>>) src(%dma_wait3A_14 : memref<1088xf32, #tpu.memory_space<hbm>>) dst(%arg5 : memref<1088xf32, #tpu.memory_space<vmem>>)
    %dma_wait3A_15 = arith.constant 0 : i32
    %dma_wait3A_16 = arith.constant 0 : i32
    %dma_wait3A_17 = tpu.memref_slice %arg3[%add3A, %dma_wait3A_15, %dma_wait3A_16] : memref<40x40x16xf32, #tpu.memory_space<hbm>> -> memref<1x40x16xf32, #tpu.memory_space<hbm>>
    %dma_wait3A_18 = tpu.memref_squeeze %dma_wait3A_17 : memref<1x40x16xf32, #tpu.memory_space<hbm>> -> memref<40x16xf32, #tpu.memory_space<hbm>>
    %dma_wait3A_19 = arith.constant 0 : i32
    %dma_wait3A_20 = arith.constant 0 : i32
    %dma_wait3A_21 = tpu.memref_slice %arg3[%add3A, %dma_wait3A_19, %dma_wait3A_20] : memref<40x40x16xf32, #tpu.memory_space<hbm>> -> memref<1x40x16xf32, #tpu.memory_space<hbm>>
    %dma_wait3A_22 = tpu.memref_squeeze %dma_wait3A_21 : memref<1x40x16xf32, #tpu.memory_space<hbm>> -> memref<40x16xf32, #tpu.memory_space<hbm>>
    tpu.wait_dma2 semaphore(%arg9 : memref<!tpu.dma_semaphore, #tpu.memory_space<semaphore_mem>>) src(%dma_wait3A_22 : memref<40x16xf32, #tpu.memory_space<hbm>>) dst(%arg6 : memref<40x16xf32, #tpu.memory_space<vmem>>)
    %iota3A = tpu.iota {dimensions = array<i32: 0>} : vector<16xi32>
    %mul3A_23 = arith.constant 16 : i32
    %mul3A_24 = arith.muli %add3A, %mul3A_23 : i32
    %add3A_25 = vector.broadcast %mul3A_24 : i32 to vector<16xi32>
    %add3A_26 = arith.addi %iota3A, %add3A_25 : vector<16xi32>
    %add3A_27 = arith.constant 448 : i32
    %add3A_28 = vector.broadcast %add3A_27 : i32 to vector<16xi32>
    %add3A_29 = arith.addi %add3A_26, %add3A_28 : vector<16xi32>
    %gather3A = tpu.vector_load_idx %arg5[%add3A_29] : memref<1088xf32, #tpu.memory_space<vmem>>[vector<16xi32>], vector<16xf32>,
    %convert_element_type3A = arith.fptosi %gather3A : vector<16xf32> to vector<16xi32>
    %add3A_30 = arith.constant 256 : i32
    %add3A_31 = vector.broadcast %add3A_30 : i32 to vector<16xi32>
    %add3A_32 = arith.addi %convert_element_type3A, %add3A_31 : vector<16xi32>
    %gather3A_33 = tpu.vector_load_idx %arg5[%add3A_32] : memref<1088xf32, #tpu.memory_space<vmem>>[vector<16xi32>], vector<16xf32>,
    %add3A_34 = arith.constant 320 : i32
    %add3A_35 = vector.broadcast %add3A_34 : i32 to vector<16xi32>
    %add3A_36 = arith.addi %convert_element_type3A, %add3A_35 : vector<16xi32>
    %gather3A_37 = tpu.vector_load_idx %arg5[%add3A_36] : memref<1088xf32, #tpu.memory_space<vmem>>[vector<16xi32>], vector<16xf32>,
    %add3A_38 = arith.constant 384 : i32
    %add3A_39 = vector.broadcast %add3A_38 : i32 to vector<16xi32>
    %add3A_40 = arith.addi %convert_element_type3A, %add3A_39 : vector<16xi32>
    %gather3A_41 = tpu.vector_load_idx %arg5[%add3A_40] : memref<1088xf32, #tpu.memory_space<vmem>>[vector<16xi32>], vector<16xf32>,
    %convert_element_type3A_42 = arith.fptosi %gather3A_33 : vector<16xf32> to vector<16xi32>
    %gather3A_43 = tpu.vector_load_idx %arg5[%convert_element_type3A_42] : memref<1088xf32, #tpu.memory_space<vmem>>[vector<16xi32>], vector<16xf32>,
    %add3A_44 = arith.constant 128 : i32
    %add3A_45 = vector.broadcast %add3A_44 : i32 to vector<16xi32>
    %add3A_46 = arith.addi %convert_element_type3A_42, %add3A_45 : vector<16xi32>
    %gather3A_47 = tpu.vector_load_idx %arg5[%add3A_46] : memref<1088xf32, #tpu.memory_space<vmem>>[vector<16xi32>], vector<16xf32>,
    %gt3A = arith.constant 0.000000e+00 : f32
    %gt3A_48 = vector.broadcast %gt3A : f32 to vector<16xf32>
    %gt3A_49 = arith.cmpf ogt, %gather3A_41, %gt3A_48 : vector<16xf32>
    %sub3A = arith.subf %gather3A_37, %gather3A_33 : vector<16xf32>
    %gt3A_50 = arith.constant 0.000000e+00 : f32
    %gt3A_51 = vector.broadcast %gt3A_50 : f32 to vector<16xf32>
    %gt3A_52 = arith.cmpf ogt, %sub3A, %gt3A_51 : vector<16xf32>
    %and3A = arith.andi %gt3A_49, %gt3A_52 : vector<16xi1>
    %broadcast_in_dim3A = arith.constant 3.400000e+38 : f32
    %broadcast_in_dim3A_53 = vector.broadcast %broadcast_in_dim3A : f32 to vector<16xf32>
    %broadcast_in_dim3A_54 = arith.constant false
    %broadcast_in_dim3A_55 = vector.broadcast %broadcast_in_dim3A_54 : i1 to vector<16xi1>
    %get3A = arith.constant 0 : i32
    %get3A_56 = arith.index_cast %get3A : i32 to index
    %get3A_57 = arith.constant 0 : index
    %get3A_58 = tpu.vector_load %arg6[%get3A_56, %get3A_57] {strides = array<i32>} : memref<40x16xf32, #tpu.memory_space<vmem>>, vector<16xf32>,
    %get3A_59 = arith.constant 20 : i32
    %get3A_60 = arith.index_cast %get3A_59 : i32 to index
    %get3A_61 = arith.constant 0 : index
    %get3A_62 = tpu.vector_load %arg6[%get3A_60, %get3A_61] {strides = array<i32>} : memref<40x16xf32, #tpu.memory_space<vmem>>, vector<16xf32>,
    %ne3A = arith.cmpf one, %get3A_58, %get3A_58 : vector<16xf32>
    %or3A = arith.ori %broadcast_in_dim3A_55, %ne3A : vector<16xi1>
    %ne3A_63 = arith.cmpf one, %get3A_62, %get3A_62 : vector<16xf32>
    %or3A_64 = arith.ori %or3A, %ne3A_63 : vector<16xi1>
    %sub3A_65 = arith.subf %gather3A_43, %get3A_58 : vector<16xf32>
    %sub3A_66 = arith.subf %gather3A_47, %get3A_62 : vector<16xf32>
    %mul3A_67 = arith.mulf %sub3A_65, %sub3A_65 : vector<16xf32>
    %mul3A_68 = arith.mulf %sub3A_66, %sub3A_66 : vector<16xf32>
    %add3A_69 = arith.addf %mul3A_67, %mul3A_68 : vector<16xf32>
    %min3A = arith.minimumf %broadcast_in_dim3A_53, %add3A_69 : vector<16xf32>
    %get3A_70 = arith.constant 1 : i32
    %get3A_71 = arith.index_cast %get3A_70 : i32 to index
    %get3A_72 = arith.constant 0 : index
    %get3A_73 = tpu.vector_load %arg6[%get3A_71, %get3A_72] {strides = array<i32>} : memref<40x16xf32, #tpu.memory_space<vmem>>, vector<16xf32>,
    %get3A_74 = arith.constant 21 : i32
    %get3A_75 = arith.index_cast %get3A_74 : i32 to index
    %get3A_76 = arith.constant 0 : index
    %get3A_77 = tpu.vector_load %arg6[%get3A_75, %get3A_76] {strides = array<i32>} : memref<40x16xf32, #tpu.memory_space<vmem>>, vector<16xf32>,
    %ne3A_78 = arith.cmpf one, %get3A_73, %get3A_73 : vector<16xf32>
    %or3A_79 = arith.ori %or3A_64, %ne3A_78 : vector<16xi1>
    %ne3A_80 = arith.cmpf one, %get3A_77, %get3A_77 : vector<16xf32>
    %or3A_81 = arith.ori %or3A_79, %ne3A_80 : vector<16xi1>
    %sub3A_82 = arith.subf %gather3A_43, %get3A_73 : vector<16xf32>
    %sub3A_83 = arith.subf %gather3A_47, %get3A_77 : vector<16xf32>
    %mul3A_84 = arith.mulf %sub3A_82, %sub3A_82 : vector<16xf32>
    %mul3A_85 = arith.mulf %sub3A_83, %sub3A_83 : vector<16xf32>
    %add3A_86 = arith.addf %mul3A_84, %mul3A_85 : vector<16xf32>
    %min3A_87 = arith.minimumf %min3A, %add3A_86 : vector<16xf32>
    %get3A_88 = arith.constant 2 : i32
    %get3A_89 = arith.index_cast %get3A_88 : i32 to index
    %get3A_90 = arith.constant 0 : index
    %get3A_91 = tpu.vector_load %arg6[%get3A_89, %get3A_90] {strides = array<i32>} : memref<40x16xf32, #tpu.memory_space<vmem>>, vector<16xf32>,
    %get3A_92 = arith.constant 22 : i32
    %get3A_93 = arith.index_cast %get3A_92 : i32 to index
    %get3A_94 = arith.constant 0 : index
    %get3A_95 = tpu.vector_load %arg6[%get3A_93, %get3A_94] {strides = array<i32>} : memref<40x16xf32, #tpu.memory_space<vmem>>, vector<16xf32>,
    %ne3A_96 = arith.cmpf one, %get3A_91, %get3A_91 : vector<16xf32>
    %or3A_97 = arith.ori %or3A_81, %ne3A_96 : vector<16xi1>
    %ne3A_98 = arith.cmpf one, %get3A_95, %get3A_95 : vector<16xf32>
    %or3A_99 = arith.ori %or3A_97, %ne3A_98 : vector<16xi1>
    %sub3A_100 = arith.subf %gather3A_43, %get3A_91 : vector<16xf32>
    %sub3A_101 = arith.subf %gather3A_47, %get3A_95 : vector<16xf32>
    %mul3A_102 = arith.mulf %sub3A_100, %sub3A_100 : vector<16xf32>
    %mul3A_103 = arith.mulf %sub3A_101, %sub3A_101 : vector<16xf32>
    %add3A_104 = arith.addf %mul3A_102, %mul3A_103 : vector<16xf32>
    %min3A_105 = arith.minimumf %min3A_87, %add3A_104 : vector<16xf32>
    %get3A_106 = arith.constant 3 : i32
    %get3A_107 = arith.index_cast %get3A_106 : i32 to index
    %get3A_108 = arith.constant 0 : index
    %get3A_109 = tpu.vector_load %arg6[%get3A_107, %get3A_108] {strides = array<i32>} : memref<40x16xf32, #tpu.memory_space<vmem>>, vector<16xf32>,
    %get3A_110 = arith.constant 23 : i32
    %get3A_111 = arith.index_cast %get3A_110 : i32 to index
    %get3A_112 = arith.constant 0 : index
    %get3A_113 = tpu.vector_load %arg6[%get3A_111, %get3A_112] {strides = array<i32>} : memref<40x16xf32, #tpu.memory_space<vmem>>, vector<16xf32>,
    %ne3A_114 = arith.cmpf one, %get3A_109, %get3A_109 : vector<16xf32>
    %or3A_115 = arith.ori %or3A_99, %ne3A_114 : vector<16xi1>
    %ne3A_116 = arith.cmpf one, %get3A_113, %get3A_113 : vector<16xf32>
    %or3A_117 = arith.ori %or3A_115, %ne3A_116 : vector<16xi1>
    %sub3A_118 = arith.subf %gather3A_43, %get3A_109 : vector<16xf32>
    %sub3A_119 = arith.subf %gather3A_47, %get3A_113 : vector<16xf32>
    %mul3A_120 = arith.mulf %sub3A_118, %sub3A_118 : vector<16xf32>
    %mul3A_121 = arith.mulf %sub3A_119, %sub3A_119 : vector<16xf32>
    %add3A_122 = arith.addf %mul3A_120, %mul3A_121 : vector<16xf32>
    %min3A_123 = arith.minimumf %min3A_105, %add3A_122 : vector<16xf32>
    %get3A_124 = arith.constant 4 : i32
    %get3A_125 = arith.index_cast %get3A_124 : i32 to index
    %get3A_126 = arith.constant 0 : index
    %get3A_127 = tpu.vector_load %arg6[%get3A_125, %get3A_126] {strides = array<i32>} : memref<40x16xf32, #tpu.memory_space<vmem>>, vector<16xf32>,
    %get3A_128 = arith.constant 24 : i32
    %get3A_129 = arith.index_cast %get3A_128 : i32 to index
    %get3A_130 = arith.constant 0 : index
    %get3A_131 = tpu.vector_load %arg6[%get3A_129, %get3A_130] {strides = array<i32>} : memref<40x16xf32, #tpu.memory_space<vmem>>, vector<16xf32>,
    %ne3A_132 = arith.cmpf one, %get3A_127, %get3A_127 : vector<16xf32>
    %or3A_133 = arith.ori %or3A_117, %ne3A_132 : vector<16xi1>
    %ne3A_134 = arith.cmpf one, %get3A_131, %get3A_131 : vector<16xf32>
    %or3A_135 = arith.ori %or3A_133, %ne3A_134 : vector<16xi1>
    %sub3A_136 = arith.subf %gather3A_43, %get3A_127 : vector<16xf32>
    %sub3A_137 = arith.subf %gather3A_47, %get3A_131 : vector<16xf32>
    %mul3A_138 = arith.mulf %sub3A_136, %sub3A_136 : vector<16xf32>
    %mul3A_139 = arith.mulf %sub3A_137, %sub3A_137 : vector<16xf32>
    %add3A_140 = arith.addf %mul3A_138, %mul3A_139 : vector<16xf32>
    %min3A_141 = arith.minimumf %min3A_123, %add3A_140 : vector<16xf32>
    %get3A_142 = arith.constant 5 : i32
    %get3A_143 = arith.index_cast %get3A_142 : i32 to index
    %get3A_144 = arith.constant 0 : index
    %get3A_145 = tpu.vector_load %arg6[%get3A_143, %get3A_144] {strides = array<i32>} : memref<40x16xf32, #tpu.memory_space<vmem>>, vector<16xf32>,
    %get3A_146 = arith.constant 25 : i32
    %get3A_147 = arith.index_cast %get3A_146 : i32 to index
    %get3A_148 = arith.constant 0 : index
    %get3A_149 = tpu.vector_load %arg6[%get3A_147, %get3A_148] {strides = array<i32>} : memref<40x16xf32, #tpu.memory_space<vmem>>, vector<16xf32>,
    %ne3A_150 = arith.cmpf one, %get3A_145, %get3A_145 : vector<16xf32>
    %or3A_151 = arith.ori %or3A_135, %ne3A_150 : vector<16xi1>
    %ne3A_152 = arith.cmpf one, %get3A_149, %get3A_149 : vector<16xf32>
    %or3A_153 = arith.ori %or3A_151, %ne3A_152 : vector<16xi1>
    %sub3A_154 = arith.subf %gather3A_43, %get3A_145 : vector<16xf32>
    %sub3A_155 = arith.subf %gather3A_47, %get3A_149 : vector<16xf32>
    %mul3A_156 = arith.mulf %sub3A_154, %sub3A_154 : vector<16xf32>
    %mul3A_157 = arith.mulf %sub3A_155, %sub3A_155 : vector<16xf32>
    %add3A_158 = arith.addf %mul3A_156, %mul3A_157 : vector<16xf32>
    %min3A_159 = arith.minimumf %min3A_141, %add3A_158 : vector<16xf32>
    %get3A_160 = arith.constant 6 : i32
    %get3A_161 = arith.index_cast %get3A_160 : i32 to index
    %get3A_162 = arith.constant 0 : index
    %get3A_163 = tpu.vector_load %arg6[%get3A_161, %get3A_162] {strides = array<i32>} : memref<40x16xf32, #tpu.memory_space<vmem>>, vector<16xf32>,
    %get3A_164 = arith.constant 26 : i32
    %get3A_165 = arith.index_cast %get3A_164 : i32 to index
    %get3A_166 = arith.constant 0 : index
    %get3A_167 = tpu.vector_load %arg6[%get3A_165, %get3A_166] {strides = array<i32>} : memref<40x16xf32, #tpu.memory_space<vmem>>, vector<16xf32>,
    %ne3A_168 = arith.cmpf one, %get3A_163, %get3A_163 : vector<16xf32>
    %or3A_169 = arith.ori %or3A_153, %ne3A_168 : vector<16xi1>
    %ne3A_170 = arith.cmpf one, %get3A_167, %get3A_167 : vector<16xf32>
    %or3A_171 = arith.ori %or3A_169, %ne3A_170 : vector<16xi1>
    %sub3A_172 = arith.subf %gather3A_43, %get3A_163 : vector<16xf32>
    %sub3A_173 = arith.subf %gather3A_47, %get3A_167 : vector<16xf32>
    %mul3A_174 = arith.mulf %sub3A_172, %sub3A_172 : vector<16xf32>
    %mul3A_175 = arith.mulf %sub3A_173, %sub3A_173 : vector<16xf32>
    %add3A_176 = arith.addf %mul3A_174, %mul3A_175 : vector<16xf32>
    %min3A_177 = arith.minimumf %min3A_159, %add3A_176 : vector<16xf32>
    %get3A_178 = arith.constant 7 : i32
    %get3A_179 = arith.index_cast %get3A_178 : i32 to index
    %get3A_180 = arith.constant 0 : index
    %get3A_181 = tpu.vector_load %arg6[%get3A_179, %get3A_180] {strides = array<i32>} : memref<40x16xf32, #tpu.memory_space<vmem>>, vector<16xf32>,
    %get3A_182 = arith.constant 27 : i32
    %get3A_183 = arith.index_cast %get3A_182 : i32 to index
    %get3A_184 = arith.constant 0 : index
    %get3A_185 = tpu.vector_load %arg6[%get3A_183, %get3A_184] {strides = array<i32>} : memref<40x16xf32, #tpu.memory_space<vmem>>, vector<16xf32>,
    %ne3A_186 = arith.cmpf one, %get3A_181, %get3A_181 : vector<16xf32>
    %or3A_187 = arith.ori %or3A_171, %ne3A_186 : vector<16xi1>
    %ne3A_188 = arith.cmpf one, %get3A_185, %get3A_185 : vector<16xf32>
    %or3A_189 = arith.ori %or3A_187, %ne3A_188 : vector<16xi1>
    %sub3A_190 = arith.subf %gather3A_43, %get3A_181 : vector<16xf32>
    %sub3A_191 = arith.subf %gather3A_47, %get3A_185 : vector<16xf32>
    %mul3A_192 = arith.mulf %sub3A_190, %sub3A_190 : vector<16xf32>
    %mul3A_193 = arith.mulf %sub3A_191, %sub3A_191 : vector<16xf32>
    %add3A_194 = arith.addf %mul3A_192, %mul3A_193 : vector<16xf32>
    %min3A_195 = arith.minimumf %min3A_177, %add3A_194 : vector<16xf32>
    %get3A_196 = arith.constant 8 : i32
    %get3A_197 = arith.index_cast %get3A_196 : i32 to index
    %get3A_198 = arith.constant 0 : index
    %get3A_199 = tpu.vector_load %arg6[%get3A_197, %get3A_198] {strides = array<i32>} : memref<40x16xf32, #tpu.memory_space<vmem>>, vector<16xf32>,
    %get3A_200 = arith.constant 28 : i32
    %get3A_201 = arith.index_cast %get3A_200 : i32 to index
    %get3A_202 = arith.constant 0 : index
    %get3A_203 = tpu.vector_load %arg6[%get3A_201, %get3A_202] {strides = array<i32>} : memref<40x16xf32, #tpu.memory_space<vmem>>, vector<16xf32>,
    %ne3A_204 = arith.cmpf one, %get3A_199, %get3A_199 : vector<16xf32>
    %or3A_205 = arith.ori %or3A_189, %ne3A_204 : vector<16xi1>
    %ne3A_206 = arith.cmpf one, %get3A_203, %get3A_203 : vector<16xf32>
    %or3A_207 = arith.ori %or3A_205, %ne3A_206 : vector<16xi1>
    %sub3A_208 = arith.subf %gather3A_43, %get3A_199 : vector<16xf32>
    %sub3A_209 = arith.subf %gather3A_47, %get3A_203 : vector<16xf32>
    %mul3A_210 = arith.mulf %sub3A_208, %sub3A_208 : vector<16xf32>
    %mul3A_211 = arith.mulf %sub3A_209, %sub3A_209 : vector<16xf32>
    %add3A_212 = arith.addf %mul3A_210, %mul3A_211 : vector<16xf32>
    %min3A_213 = arith.minimumf %min3A_195, %add3A_212 : vector<16xf32>
    %get3A_214 = arith.constant 9 : i32
    %get3A_215 = arith.index_cast %get3A_214 : i32 to index
    %get3A_216 = arith.constant 0 : index
    %get3A_217 = tpu.vector_load %arg6[%get3A_215, %get3A_216] {strides = array<i32>} : memref<40x16xf32, #tpu.memory_space<vmem>>, vector<16xf32>,
    %get3A_218 = arith.constant 29 : i32
    %get3A_219 = arith.index_cast %get3A_218 : i32 to index
    %get3A_220 = arith.constant 0 : index
    %get3A_221 = tpu.vector_load %arg6[%get3A_219, %get3A_220] {strides = array<i32>} : memref<40x16xf32, #tpu.memory_space<vmem>>, vector<16xf32>,
    %ne3A_222 = arith.cmpf one, %get3A_217, %get3A_217 : vector<16xf32>
    %or3A_223 = arith.ori %or3A_207, %ne3A_222 : vector<16xi1>
    %ne3A_224 = arith.cmpf one, %get3A_221, %get3A_221 : vector<16xf32>
    %or3A_225 = arith.ori %or3A_223, %ne3A_224 : vector<16xi1>
    %sub3A_226 = arith.subf %gather3A_43, %get3A_217 : vector<16xf32>
    %sub3A_227 = arith.subf %gather3A_47, %get3A_221 : vector<16xf32>
    %mul3A_228 = arith.mulf %sub3A_226, %sub3A_226 : vector<16xf32>
    %mul3A_229 = arith.mulf %sub3A_227, %sub3A_227 : vector<16xf32>
    %add3A_230 = arith.addf %mul3A_228, %mul3A_229 : vector<16xf32>
    %min3A_231 = arith.minimumf %min3A_213, %add3A_230 : vector<16xf32>
    %get3A_232 = arith.constant 10 : i32
    %get3A_233 = arith.index_cast %get3A_232 : i32 to index
    %get3A_234 = arith.constant 0 : index
    %get3A_235 = tpu.vector_load %arg6[%get3A_233, %get3A_234] {strides = array<i32>} : memref<40x16xf32, #tpu.memory_space<vmem>>, vector<16xf32>,
    %get3A_236 = arith.constant 30 : i32
    %get3A_237 = arith.index_cast %get3A_236 : i32 to index
    %get3A_238 = arith.constant 0 : index
    %get3A_239 = tpu.vector_load %arg6[%get3A_237, %get3A_238] {strides = array<i32>} : memref<40x16xf32, #tpu.memory_space<vmem>>, vector<16xf32>,
    %ne3A_240 = arith.cmpf one, %get3A_235, %get3A_235 : vector<16xf32>
    %or3A_241 = arith.ori %or3A_225, %ne3A_240 : vector<16xi1>
    %ne3A_242 = arith.cmpf one, %get3A_239, %get3A_239 : vector<16xf32>
    %or3A_243 = arith.ori %or3A_241, %ne3A_242 : vector<16xi1>
    %sub3A_244 = arith.subf %gather3A_43, %get3A_235 : vector<16xf32>
    %sub3A_245 = arith.subf %gather3A_47, %get3A_239 : vector<16xf32>
    %mul3A_246 = arith.mulf %sub3A_244, %sub3A_244 : vector<16xf32>
    %mul3A_247 = arith.mulf %sub3A_245, %sub3A_245 : vector<16xf32>
    %add3A_248 = arith.addf %mul3A_246, %mul3A_247 : vector<16xf32>
    %min3A_249 = arith.minimumf %min3A_231, %add3A_248 : vector<16xf32>
    %get3A_250 = arith.constant 11 : i32
    %get3A_251 = arith.index_cast %get3A_250 : i32 to index
    %get3A_252 = arith.constant 0 : index
    %get3A_253 = tpu.vector_load %arg6[%get3A_251, %get3A_252] {strides = array<i32>} : memref<40x16xf32, #tpu.memory_space<vmem>>, vector<16xf32>,
    %get3A_254 = arith.constant 31 : i32
    %get3A_255 = arith.index_cast %get3A_254 : i32 to index
    %get3A_256 = arith.constant 0 : index
    %get3A_257 = tpu.vector_load %arg6[%get3A_255, %get3A_256] {strides = array<i32>} : memref<40x16xf32, #tpu.memory_space<vmem>>, vector<16xf32>,
    %ne3A_258 = arith.cmpf one, %get3A_253, %get3A_253 : vector<16xf32>
    %or3A_259 = arith.ori %or3A_243, %ne3A_258 : vector<16xi1>
    %ne3A_260 = arith.cmpf one, %get3A_257, %get3A_257 : vector<16xf32>
    %or3A_261 = arith.ori %or3A_259, %ne3A_260 : vector<16xi1>
    %sub3A_262 = arith.subf %gather3A_43, %get3A_253 : vector<16xf32>
    %sub3A_263 = arith.subf %gather3A_47, %get3A_257 : vector<16xf32>
    %mul3A_264 = arith.mulf %sub3A_262, %sub3A_262 : vector<16xf32>
    %mul3A_265 = arith.mulf %sub3A_263, %sub3A_263 : vector<16xf32>
    %add3A_266 = arith.addf %mul3A_264, %mul3A_265 : vector<16xf32>
    %min3A_267 = arith.minimumf %min3A_249, %add3A_266 : vector<16xf32>
    %get3A_268 = arith.constant 12 : i32
    %get3A_269 = arith.index_cast %get3A_268 : i32 to index
    %get3A_270 = arith.constant 0 : index
    %get3A_271 = tpu.vector_load %arg6[%get3A_269, %get3A_270] {strides = array<i32>} : memref<40x16xf32, #tpu.memory_space<vmem>>, vector<16xf32>,
    %get3A_272 = arith.constant 32 : i32
    %get3A_273 = arith.index_cast %get3A_272 : i32 to index
    %get3A_274 = arith.constant 0 : index
    %get3A_275 = tpu.vector_load %arg6[%get3A_273, %get3A_274] {strides = array<i32>} : memref<40x16xf32, #tpu.memory_space<vmem>>, vector<16xf32>,
    %ne3A_276 = arith.cmpf one, %get3A_271, %get3A_271 : vector<16xf32>
    %or3A_277 = arith.ori %or3A_261, %ne3A_276 : vector<16xi1>
    %ne3A_278 = arith.cmpf one, %get3A_275, %get3A_275 : vector<16xf32>
    %or3A_279 = arith.ori %or3A_277, %ne3A_278 : vector<16xi1>
    %sub3A_280 = arith.subf %gather3A_43, %get3A_271 : vector<16xf32>
    %sub3A_281 = arith.subf %gather3A_47, %get3A_275 : vector<16xf32>
    %mul3A_282 = arith.mulf %sub3A_280, %sub3A_280 : vector<16xf32>
    %mul3A_283 = arith.mulf %sub3A_281, %sub3A_281 : vector<16xf32>
    %add3A_284 = arith.addf %mul3A_282, %mul3A_283 : vector<16xf32>
    %min3A_285 = arith.minimumf %min3A_267, %add3A_284 : vector<16xf32>
    %get3A_286 = arith.constant 13 : i32
    %get3A_287 = arith.index_cast %get3A_286 : i32 to index
    %get3A_288 = arith.constant 0 : index
    %get3A_289 = tpu.vector_load %arg6[%get3A_287, %get3A_288] {strides = array<i32>} : memref<40x16xf32, #tpu.memory_space<vmem>>, vector<16xf32>,
    %get3A_290 = arith.constant 33 : i32
    %get3A_291 = arith.index_cast %get3A_290 : i32 to index
    %get3A_292 = arith.constant 0 : index
    %get3A_293 = tpu.vector_load %arg6[%get3A_291, %get3A_292] {strides = array<i32>} : memref<40x16xf32, #tpu.memory_space<vmem>>, vector<16xf32>,
    %ne3A_294 = arith.cmpf one, %get3A_289, %get3A_289 : vector<16xf32>
    %or3A_295 = arith.ori %or3A_279, %ne3A_294 : vector<16xi1>
    %ne3A_296 = arith.cmpf one, %get3A_293, %get3A_293 : vector<16xf32>
    %or3A_297 = arith.ori %or3A_295, %ne3A_296 : vector<16xi1>
    %sub3A_298 = arith.subf %gather3A_43, %get3A_289 : vector<16xf32>
    %sub3A_299 = arith.subf %gather3A_47, %get3A_293 : vector<16xf32>
    %mul3A_300 = arith.mulf %sub3A_298, %sub3A_298 : vector<16xf32>
    %mul3A_301 = arith.mulf %sub3A_299, %sub3A_299 : vector<16xf32>
    %add3A_302 = arith.addf %mul3A_300, %mul3A_301 : vector<16xf32>
    %min3A_303 = arith.minimumf %min3A_285, %add3A_302 : vector<16xf32>
    %get3A_304 = arith.constant 14 : i32
    %get3A_305 = arith.index_cast %get3A_304 : i32 to index
    %get3A_306 = arith.constant 0 : index
    %get3A_307 = tpu.vector_load %arg6[%get3A_305, %get3A_306] {strides = array<i32>} : memref<40x16xf32, #tpu.memory_space<vmem>>, vector<16xf32>,
    %get3A_308 = arith.constant 34 : i32
    %get3A_309 = arith.index_cast %get3A_308 : i32 to index
    %get3A_310 = arith.constant 0 : index
    %get3A_311 = tpu.vector_load %arg6[%get3A_309, %get3A_310] {strides = array<i32>} : memref<40x16xf32, #tpu.memory_space<vmem>>, vector<16xf32>,
    %ne3A_312 = arith.cmpf one, %get3A_307, %get3A_307 : vector<16xf32>
    %or3A_313 = arith.ori %or3A_297, %ne3A_312 : vector<16xi1>
    %ne3A_314 = arith.cmpf one, %get3A_311, %get3A_311 : vector<16xf32>
    %or3A_315 = arith.ori %or3A_313, %ne3A_314 : vector<16xi1>
    %sub3A_316 = arith.subf %gather3A_43, %get3A_307 : vector<16xf32>
    %sub3A_317 = arith.subf %gather3A_47, %get3A_311 : vector<16xf32>
    %mul3A_318 = arith.mulf %sub3A_316, %sub3A_316 : vector<16xf32>
    %mul3A_319 = arith.mulf %sub3A_317, %sub3A_317 : vector<16xf32>
    %add3A_320 = arith.addf %mul3A_318, %mul3A_319 : vector<16xf32>
    %min3A_321 = arith.minimumf %min3A_303, %add3A_320 : vector<16xf32>
    %get3A_322 = arith.constant 15 : i32
    %get3A_323 = arith.index_cast %get3A_322 : i32 to index
    %get3A_324 = arith.constant 0 : index
    %get3A_325 = tpu.vector_load %arg6[%get3A_323, %get3A_324] {strides = array<i32>} : memref<40x16xf32, #tpu.memory_space<vmem>>, vector<16xf32>,
    %get3A_326 = arith.constant 35 : i32
    %get3A_327 = arith.index_cast %get3A_326 : i32 to index
    %get3A_328 = arith.constant 0 : index
    %get3A_329 = tpu.vector_load %arg6[%get3A_327, %get3A_328] {strides = array<i32>} : memref<40x16xf32, #tpu.memory_space<vmem>>, vector<16xf32>,
    %ne3A_330 = arith.cmpf one, %get3A_325, %get3A_325 : vector<16xf32>
    %or3A_331 = arith.ori %or3A_315, %ne3A_330 : vector<16xi1>
    %ne3A_332 = arith.cmpf one, %get3A_329, %get3A_329 : vector<16xf32>
    %or3A_333 = arith.ori %or3A_331, %ne3A_332 : vector<16xi1>
    %sub3A_334 = arith.subf %gather3A_43, %get3A_325 : vector<16xf32>
    %sub3A_335 = arith.subf %gather3A_47, %get3A_329 : vector<16xf32>
    %mul3A_336 = arith.mulf %sub3A_334, %sub3A_334 : vector<16xf32>
    %mul3A_337 = arith.mulf %sub3A_335, %sub3A_335 : vector<16xf32>
    %add3A_338 = arith.addf %mul3A_336, %mul3A_337 : vector<16xf32>
    %min3A_339 = arith.minimumf %min3A_321, %add3A_338 : vector<16xf32>
    %get3A_340 = arith.constant 16 : i32
    %get3A_341 = arith.index_cast %get3A_340 : i32 to index
    %get3A_342 = arith.constant 0 : index
    %get3A_343 = tpu.vector_load %arg6[%get3A_341, %get3A_342] {strides = array<i32>} : memref<40x16xf32, #tpu.memory_space<vmem>>, vector<16xf32>,
    %get3A_344 = arith.constant 36 : i32
    %get3A_345 = arith.index_cast %get3A_344 : i32 to index
    %get3A_346 = arith.constant 0 : index
    %get3A_347 = tpu.vector_load %arg6[%get3A_345, %get3A_346] {strides = array<i32>} : memref<40x16xf32, #tpu.memory_space<vmem>>, vector<16xf32>,
    %ne3A_348 = arith.cmpf one, %get3A_343, %get3A_343 : vector<16xf32>
    %or3A_349 = arith.ori %or3A_333, %ne3A_348 : vector<16xi1>
    %ne3A_350 = arith.cmpf one, %get3A_347, %get3A_347 : vector<16xf32>
    %or3A_351 = arith.ori %or3A_349, %ne3A_350 : vector<16xi1>
    %sub3A_352 = arith.subf %gather3A_43, %get3A_343 : vector<16xf32>
    %sub3A_353 = arith.subf %gather3A_47, %get3A_347 : vector<16xf32>
    %mul3A_354 = arith.mulf %sub3A_352, %sub3A_352 : vector<16xf32>
    %mul3A_355 = arith.mulf %sub3A_353, %sub3A_353 : vector<16xf32>
    %add3A_356 = arith.addf %mul3A_354, %mul3A_355 : vector<16xf32>
    %min3A_357 = arith.minimumf %min3A_339, %add3A_356 : vector<16xf32>
    %get3A_358 = arith.constant 17 : i32
    %get3A_359 = arith.index_cast %get3A_358 : i32 to index
    %get3A_360 = arith.constant 0 : index
    %get3A_361 = tpu.vector_load %arg6[%get3A_359, %get3A_360] {strides = array<i32>} : memref<40x16xf32, #tpu.memory_space<vmem>>, vector<16xf32>,
    %get3A_362 = arith.constant 37 : i32
    %get3A_363 = arith.index_cast %get3A_362 : i32 to index
    %get3A_364 = arith.constant 0 : index
    %get3A_365 = tpu.vector_load %arg6[%get3A_363, %get3A_364] {strides = array<i32>} : memref<40x16xf32, #tpu.memory_space<vmem>>, vector<16xf32>,
    %ne3A_366 = arith.cmpf one, %get3A_361, %get3A_361 : vector<16xf32>
    %or3A_367 = arith.ori %or3A_351, %ne3A_366 : vector<16xi1>
    %ne3A_368 = arith.cmpf one, %get3A_365, %get3A_365 : vector<16xf32>
    %or3A_369 = arith.ori %or3A_367, %ne3A_368 : vector<16xi1>
    %sub3A_370 = arith.subf %gather3A_43, %get3A_361 : vector<16xf32>
    %sub3A_371 = arith.subf %gather3A_47, %get3A_365 : vector<16xf32>
    %mul3A_372 = arith.mulf %sub3A_370, %sub3A_370 : vector<16xf32>
    %mul3A_373 = arith.mulf %sub3A_371, %sub3A_371 : vector<16xf32>
    %add3A_374 = arith.addf %mul3A_372, %mul3A_373 : vector<16xf32>
    %min3A_375 = arith.minimumf %min3A_357, %add3A_374 : vector<16xf32>
    %get3A_376 = arith.constant 18 : i32
    %get3A_377 = arith.index_cast %get3A_376 : i32 to index
    %get3A_378 = arith.constant 0 : index
    %get3A_379 = tpu.vector_load %arg6[%get3A_377, %get3A_378] {strides = array<i32>} : memref<40x16xf32, #tpu.memory_space<vmem>>, vector<16xf32>,
    %get3A_380 = arith.constant 38 : i32
    %get3A_381 = arith.index_cast %get3A_380 : i32 to index
    %get3A_382 = arith.constant 0 : index
    %get3A_383 = tpu.vector_load %arg6[%get3A_381, %get3A_382] {strides = array<i32>} : memref<40x16xf32, #tpu.memory_space<vmem>>, vector<16xf32>,
    %ne3A_384 = arith.cmpf one, %get3A_379, %get3A_379 : vector<16xf32>
    %or3A_385 = arith.ori %or3A_369, %ne3A_384 : vector<16xi1>
    %ne3A_386 = arith.cmpf one, %get3A_383, %get3A_383 : vector<16xf32>
    %or3A_387 = arith.ori %or3A_385, %ne3A_386 : vector<16xi1>
    %sub3A_388 = arith.subf %gather3A_43, %get3A_379 : vector<16xf32>
    %sub3A_389 = arith.subf %gather3A_47, %get3A_383 : vector<16xf32>
    %mul3A_390 = arith.mulf %sub3A_388, %sub3A_388 : vector<16xf32>
    %mul3A_391 = arith.mulf %sub3A_389, %sub3A_389 : vector<16xf32>
    %add3A_392 = arith.addf %mul3A_390, %mul3A_391 : vector<16xf32>
    %min3A_393 = arith.minimumf %min3A_375, %add3A_392 : vector<16xf32>
    %get3A_394 = arith.constant 19 : i32
    %get3A_395 = arith.index_cast %get3A_394 : i32 to index
    %get3A_396 = arith.constant 0 : index
    %get3A_397 = tpu.vector_load %arg6[%get3A_395, %get3A_396] {strides = array<i32>} : memref<40x16xf32, #tpu.memory_space<vmem>>, vector<16xf32>,
    %get3A_398 = arith.constant 39 : i32
    %get3A_399 = arith.index_cast %get3A_398 : i32 to index
    %get3A_400 = arith.constant 0 : index
    %get3A_401 = tpu.vector_load %arg6[%get3A_399, %get3A_400] {strides = array<i32>} : memref<40x16xf32, #tpu.memory_space<vmem>>, vector<16xf32>,
    %ne3A_402 = arith.cmpf one, %get3A_397, %get3A_397 : vector<16xf32>
    %or3A_403 = arith.ori %or3A_387, %ne3A_402 : vector<16xi1>
    %ne3A_404 = arith.cmpf one, %get3A_401, %get3A_401 : vector<16xf32>
    %or3A_405 = arith.ori %or3A_403, %ne3A_404 : vector<16xi1>
    %sub3A_406 = arith.subf %gather3A_43, %get3A_397 : vector<16xf32>
    %sub3A_407 = arith.subf %gather3A_47, %get3A_401 : vector<16xf32>
    %mul3A_408 = arith.mulf %sub3A_406, %sub3A_406 : vector<16xf32>
    %mul3A_409 = arith.mulf %sub3A_407, %sub3A_407 : vector<16xf32>
    %add3A_410 = arith.addf %mul3A_408, %mul3A_409 : vector<16xf32>
    %min3A_411 = arith.minimumf %min3A_393, %add3A_410 : vector<16xf32>
    %mul3A_412 = arith.mulf %gather3A_43, %gather3A_43 : vector<16xf32>
    %mul3A_413 = arith.mulf %gather3A_47, %gather3A_47 : vector<16xf32>
    %add3A_414 = arith.addf %mul3A_412, %mul3A_413 : vector<16xf32>
    %select_n3A = arith.select %or3A_405, %add3A_414, %min3A_411 : vector<16xi1>, vector<16xf32>
    %lt3A = arith.constant 1.000000e+04 : f32
    %lt3A_415 = vector.broadcast %lt3A : f32 to vector<16xf32>
    %lt3A_416 = arith.cmpf olt, %select_n3A, %lt3A_415 : vector<16xf32>
    %and3A_417 = arith.andi %and3A, %lt3A_416 : vector<16xi1>
    %jit3A = arith.constant 1.000000e+00 : f32
    %jit3A_418 = arith.constant 0.000000e+00 : f32
    %broadcast_in_dim3A_419 = vector.broadcast %jit3A : f32 to vector<16xf32>
    %broadcast_in_dim3A_420 = vector.broadcast %jit3A_418 : f32 to vector<16xf32>
    %select_n3A_421 = arith.select %and3A_417, %broadcast_in_dim3A_419, %broadcast_in_dim3A_420 : vector<16xi1>, vector<16xf32>
    %swap3A = arith.constant 0 : i32
    %swap3A_422 = arith.index_cast %swap3A : i32 to index
    %swap3A_423 = arith.constant 0 : index
    %swap3A_424 = tpu.vector_load %arg7[%swap3A_422, %swap3A_423] {strides = array<i32>} : memref<1x16xf32, #tpu.memory_space<vmem>>, vector<16xf32>,
    tpu.vector_store %arg7[%swap3A_422, %swap3A_423], %select_n3A_421 {strides = array<i32>} : memref<1x16xf32, #tpu.memory_space<vmem>>, vector<16xf32>,
    "tpu.region"() ({
      %run_scoped3A = tpu.sem_alloc : memref<!tpu.dma_semaphore, #tpu.memory_space<semaphore_mem>>
      %dma_start3A_429 = arith.constant 0 : i32
      %dma_start3A_430 = arith.constant 0 : i32
      %dma_start3A_431 = tpu.memref_slice %arg4[%add3A, %dma_start3A_429, %dma_start3A_430] : memref<40x1x16xf32, #tpu.memory_space<hbm>> -> memref<1x1x16xf32, #tpu.memory_space<hbm>>
      %dma_start3A_432 = tpu.memref_squeeze %dma_start3A_431 : memref<1x1x16xf32, #tpu.memory_space<hbm>> -> memref<1x16xf32, #tpu.memory_space<hbm>>
      %dma_start3A_433 = arith.constant 0 : i32
      %dma_start3A_434 = arith.constant 0 : i32
      %dma_start3A_435 = tpu.memref_slice %arg4[%add3A, %dma_start3A_433, %dma_start3A_434] : memref<40x1x16xf32, #tpu.memory_space<hbm>> -> memref<1x1x16xf32, #tpu.memory_space<hbm>>
      %dma_start3A_436 = tpu.memref_squeeze %dma_start3A_435 : memref<1x1x16xf32, #tpu.memory_space<hbm>> -> memref<1x16xf32, #tpu.memory_space<hbm>>
      tpu.enqueue_dma source(%arg7 : memref<1x16xf32, #tpu.memory_space<vmem>>) target(%dma_start3A_436 : memref<1x16xf32, #tpu.memory_space<hbm>>) target_semaphore(%run_scoped3A : memref<!tpu.dma_semaphore, #tpu.memory_space<semaphore_mem>>)
      %dma_wait3A_437 = arith.constant 0 : i32
      %dma_wait3A_438 = arith.constant 0 : i32
      %dma_wait3A_439 = tpu.memref_slice %arg4[%add3A, %dma_wait3A_437, %dma_wait3A_438] : memref<40x1x16xf32, #tpu.memory_space<hbm>> -> memref<1x1x16xf32, #tpu.memory_space<hbm>>
      %dma_wait3A_440 = tpu.memref_squeeze %dma_wait3A_439 : memref<1x1x16xf32, #tpu.memory_space<hbm>> -> memref<1x16xf32, #tpu.memory_space<hbm>>
      %dma_wait3A_441 = arith.constant 0 : i32
      %dma_wait3A_442 = arith.constant 0 : i32
      %dma_wait3A_443 = tpu.memref_slice %arg4[%add3A, %dma_wait3A_441, %dma_wait3A_442] : memref<40x1x16xf32, #tpu.memory_space<hbm>> -> memref<1x1x16xf32, #tpu.memory_space<hbm>>
      %dma_wait3A_444 = tpu.memref_squeeze %dma_wait3A_443 : memref<1x1x16xf32, #tpu.memory_space<hbm>> -> memref<1x16xf32, #tpu.memory_space<hbm>>
      tpu.wait_dma2 semaphore(%run_scoped3A : memref<!tpu.dma_semaphore, #tpu.memory_space<semaphore_mem>>) src(%arg7 : memref<1x16xf32, #tpu.memory_space<vmem>>) dst(%dma_wait3A_444 : memref<1x16xf32, #tpu.memory_space<hbm>>)
      tpu.yield
    }) : () -> ()
    %lt3A_425 = arith.constant 8 : i32
    %lt3A_426 = arith.cmpi slt, %add3A, %lt3A_425 : i32
    %convert_element_type3A_427 = arith.extui %lt3A_426 : i1 to i32
    %cond3A = arith.constant 0 : i32
    %cond3A_428 = arith.cmpi ne, %convert_element_type3A_427, %cond3A : i32
    scf.if %cond3A_428 {
      %add3A_429 = arith.constant 32 : i32
      %add3A_430 = arith.addi %add3A, %add3A_429 : i32
      "tpu.region"() ({
        %run_scoped3A = tpu.sem_alloc : memref<!tpu.dma_semaphore, #tpu.memory_space<semaphore_mem>>
        %dma_start3A_848 = arith.constant 0 : i32
        %dma_start3A_849 = arith.constant 0 : i32
        %dma_start3A_850 = tpu.memref_slice %arg3[%add3A_430, %dma_start3A_848, %dma_start3A_849] : memref<40x40x16xf32, #tpu.memory_space<hbm>> -> memref<1x40x16xf32, #tpu.memory_space<hbm>>
        %dma_start3A_851 = tpu.memref_squeeze %dma_start3A_850 : memref<1x40x16xf32, #tpu.memory_space<hbm>> -> memref<40x16xf32, #tpu.memory_space<hbm>>
        %dma_start3A_852 = arith.constant 0 : i32
        %dma_start3A_853 = arith.constant 0 : i32
        %dma_start3A_854 = tpu.memref_slice %arg3[%add3A_430, %dma_start3A_852, %dma_start3A_853] : memref<40x40x16xf32, #tpu.memory_space<hbm>> -> memref<1x40x16xf32, #tpu.memory_space<hbm>>
        %dma_start3A_855 = tpu.memref_squeeze %dma_start3A_854 : memref<1x40x16xf32, #tpu.memory_space<hbm>> -> memref<40x16xf32, #tpu.memory_space<hbm>>
        tpu.enqueue_dma source(%dma_start3A_855 : memref<40x16xf32, #tpu.memory_space<hbm>>) target(%arg6 : memref<40x16xf32, #tpu.memory_space<vmem>>) target_semaphore(%run_scoped3A : memref<!tpu.dma_semaphore, #tpu.memory_space<semaphore_mem>>)
        %dma_wait3A_856 = arith.constant 0 : i32
        %dma_wait3A_857 = arith.constant 0 : i32
        %dma_wait3A_858 = tpu.memref_slice %arg3[%add3A_430, %dma_wait3A_856, %dma_wait3A_857] : memref<40x40x16xf32, #tpu.memory_space<hbm>> -> memref<1x40x16xf32, #tpu.memory_space<hbm>>
        %dma_wait3A_859 = tpu.memref_squeeze %dma_wait3A_858 : memref<1x40x16xf32, #tpu.memory_space<hbm>> -> memref<40x16xf32, #tpu.memory_space<hbm>>
        %dma_wait3A_860 = arith.constant 0 : i32
        %dma_wait3A_861 = arith.constant 0 : i32
        %dma_wait3A_862 = tpu.memref_slice %arg3[%add3A_430, %dma_wait3A_860, %dma_wait3A_861] : memref<40x40x16xf32, #tpu.memory_space<hbm>> -> memref<1x40x16xf32, #tpu.memory_space<hbm>>
        %dma_wait3A_863 = tpu.memref_squeeze %dma_wait3A_862 : memref<1x40x16xf32, #tpu.memory_space<hbm>> -> memref<40x16xf32, #tpu.memory_space<hbm>>
        tpu.wait_dma2 semaphore(%run_scoped3A : memref<!tpu.dma_semaphore, #tpu.memory_space<semaphore_mem>>) src(%dma_wait3A_863 : memref<40x16xf32, #tpu.memory_space<hbm>>) dst(%arg6 : memref<40x16xf32, #tpu.memory_space<vmem>>)
        tpu.yield
      }) : () -> ()
      %iota3A_431 = tpu.iota {dimensions = array<i32: 0>} : vector<16xi32>
      %mul3A_432 = arith.constant 16 : i32
      %mul3A_433 = arith.muli %add3A_430, %mul3A_432 : i32
      %add3A_434 = vector.broadcast %mul3A_433 : i32 to vector<16xi32>
      %add3A_435 = arith.addi %iota3A_431, %add3A_434 : vector<16xi32>
      %add3A_436 = arith.constant 448 : i32
      %add3A_437 = vector.broadcast %add3A_436 : i32 to vector<16xi32>
      %add3A_438 = arith.addi %add3A_435, %add3A_437 : vector<16xi32>
      %gather3A_439 = tpu.vector_load_idx %arg5[%add3A_438] : memref<1088xf32, #tpu.memory_space<vmem>>[vector<16xi32>], vector<16xf32>,
      %convert_element_type3A_440 = arith.fptosi %gather3A_439 : vector<16xf32> to vector<16xi32>
      %add3A_441 = arith.constant 256 : i32
      %add3A_442 = vector.broadcast %add3A_441 : i32 to vector<16xi32>
      %add3A_443 = arith.addi %convert_element_type3A_440, %add3A_442 : vector<16xi32>
      %gather3A_444 = tpu.vector_load_idx %arg5[%add3A_443] : memref<1088xf32, #tpu.memory_space<vmem>>[vector<16xi32>], vector<16xf32>,
      %add3A_445 = arith.constant 320 : i32
      %add3A_446 = vector.broadcast %add3A_445 : i32 to vector<16xi32>
      %add3A_447 = arith.addi %convert_element_type3A_440, %add3A_446 : vector<16xi32>
      %gather3A_448 = tpu.vector_load_idx %arg5[%add3A_447] : memref<1088xf32, #tpu.memory_space<vmem>>[vector<16xi32>], vector<16xf32>,
      %add3A_449 = arith.constant 384 : i32
      %add3A_450 = vector.broadcast %add3A_449 : i32 to vector<16xi32>
      %add3A_451 = arith.addi %convert_element_type3A_440, %add3A_450 : vector<16xi32>
      %gather3A_452 = tpu.vector_load_idx %arg5[%add3A_451] : memref<1088xf32, #tpu.memory_space<vmem>>[vector<16xi32>], vector<16xf32>,
      %convert_element_type3A_453 = arith.fptosi %gather3A_444 : vector<16xf32> to vector<16xi32>
      %gather3A_454 = tpu.vector_load_idx %arg5[%convert_element_type3A_453] : memref<1088xf32, #tpu.memory_space<vmem>>[vector<16xi32>], vector<16xf32>,
      %add3A_455 = arith.constant 128 : i32
      %add3A_456 = vector.broadcast %add3A_455 : i32 to vector<16xi32>
      %add3A_457 = arith.addi %convert_element_type3A_453, %add3A_456 : vector<16xi32>
      %gather3A_458 = tpu.vector_load_idx %arg5[%add3A_457] : memref<1088xf32, #tpu.memory_space<vmem>>[vector<16xi32>], vector<16xf32>,
      %gt3A_459 = arith.constant 0.000000e+00 : f32
      %gt3A_460 = vector.broadcast %gt3A_459 : f32 to vector<16xf32>
      %gt3A_461 = arith.cmpf ogt, %gather3A_452, %gt3A_460 : vector<16xf32>
      %sub3A_462 = arith.subf %gather3A_448, %gather3A_444 : vector<16xf32>
      %gt3A_463 = arith.constant 0.000000e+00 : f32
      %gt3A_464 = vector.broadcast %gt3A_463 : f32 to vector<16xf32>
      %gt3A_465 = arith.cmpf ogt, %sub3A_462, %gt3A_464 : vector<16xf32>
      %and3A_466 = arith.andi %gt3A_461, %gt3A_465 : vector<16xi1>
      %broadcast_in_dim3A_467 = arith.constant 3.400000e+38 : f32
      %broadcast_in_dim3A_468 = vector.broadcast %broadcast_in_dim3A_467 : f32 to vector<16xf32>
      %broadcast_in_dim3A_469 = arith.constant false
      %broadcast_in_dim3A_470 = vector.broadcast %broadcast_in_dim3A_469 : i1 to vector<16xi1>
      %get3A_471 = arith.constant 0 : i32
      %get3A_472 = arith.index_cast %get3A_471 : i32 to index
      %get3A_473 = arith.constant 0 : index
      %get3A_474 = tpu.vector_load %arg6[%get3A_472, %get3A_473] {strides = array<i32>} : memref<40x16xf32, #tpu.memory_space<vmem>>, vector<16xf32>,
      %get3A_475 = arith.constant 20 : i32
      %get3A_476 = arith.index_cast %get3A_475 : i32 to index
      %get3A_477 = arith.constant 0 : index
      %get3A_478 = tpu.vector_load %arg6[%get3A_476, %get3A_477] {strides = array<i32>} : memref<40x16xf32, #tpu.memory_space<vmem>>, vector<16xf32>,
      %ne3A_479 = arith.cmpf one, %get3A_474, %get3A_474 : vector<16xf32>
      %or3A_480 = arith.ori %broadcast_in_dim3A_470, %ne3A_479 : vector<16xi1>
      %ne3A_481 = arith.cmpf one, %get3A_478, %get3A_478 : vector<16xf32>
      %or3A_482 = arith.ori %or3A_480, %ne3A_481 : vector<16xi1>
      %sub3A_483 = arith.subf %gather3A_454, %get3A_474 : vector<16xf32>
      %sub3A_484 = arith.subf %gather3A_458, %get3A_478 : vector<16xf32>
      %mul3A_485 = arith.mulf %sub3A_483, %sub3A_483 : vector<16xf32>
      %mul3A_486 = arith.mulf %sub3A_484, %sub3A_484 : vector<16xf32>
      %add3A_487 = arith.addf %mul3A_485, %mul3A_486 : vector<16xf32>
      %min3A_488 = arith.minimumf %broadcast_in_dim3A_468, %add3A_487 : vector<16xf32>
      %get3A_489 = arith.constant 1 : i32
      %get3A_490 = arith.index_cast %get3A_489 : i32 to index
      %get3A_491 = arith.constant 0 : index
      %get3A_492 = tpu.vector_load %arg6[%get3A_490, %get3A_491] {strides = array<i32>} : memref<40x16xf32, #tpu.memory_space<vmem>>, vector<16xf32>,
      %get3A_493 = arith.constant 21 : i32
      %get3A_494 = arith.index_cast %get3A_493 : i32 to index
      %get3A_495 = arith.constant 0 : index
      %get3A_496 = tpu.vector_load %arg6[%get3A_494, %get3A_495] {strides = array<i32>} : memref<40x16xf32, #tpu.memory_space<vmem>>, vector<16xf32>,
      %ne3A_497 = arith.cmpf one, %get3A_492, %get3A_492 : vector<16xf32>
      %or3A_498 = arith.ori %or3A_482, %ne3A_497 : vector<16xi1>
      %ne3A_499 = arith.cmpf one, %get3A_496, %get3A_496 : vector<16xf32>
      %or3A_500 = arith.ori %or3A_498, %ne3A_499 : vector<16xi1>
      %sub3A_501 = arith.subf %gather3A_454, %get3A_492 : vector<16xf32>
      %sub3A_502 = arith.subf %gather3A_458, %get3A_496 : vector<16xf32>
      %mul3A_503 = arith.mulf %sub3A_501, %sub3A_501 : vector<16xf32>
      %mul3A_504 = arith.mulf %sub3A_502, %sub3A_502 : vector<16xf32>
      %add3A_505 = arith.addf %mul3A_503, %mul3A_504 : vector<16xf32>
      %min3A_506 = arith.minimumf %min3A_488, %add3A_505 : vector<16xf32>
      %get3A_507 = arith.constant 2 : i32
      %get3A_508 = arith.index_cast %get3A_507 : i32 to index
      %get3A_509 = arith.constant 0 : index
      %get3A_510 = tpu.vector_load %arg6[%get3A_508, %get3A_509] {strides = array<i32>} : memref<40x16xf32, #tpu.memory_space<vmem>>, vector<16xf32>,
      %get3A_511 = arith.constant 22 : i32
      %get3A_512 = arith.index_cast %get3A_511 : i32 to index
      %get3A_513 = arith.constant 0 : index
      %get3A_514 = tpu.vector_load %arg6[%get3A_512, %get3A_513] {strides = array<i32>} : memref<40x16xf32, #tpu.memory_space<vmem>>, vector<16xf32>,
      %ne3A_515 = arith.cmpf one, %get3A_510, %get3A_510 : vector<16xf32>
      %or3A_516 = arith.ori %or3A_500, %ne3A_515 : vector<16xi1>
      %ne3A_517 = arith.cmpf one, %get3A_514, %get3A_514 : vector<16xf32>
      %or3A_518 = arith.ori %or3A_516, %ne3A_517 : vector<16xi1>
      %sub3A_519 = arith.subf %gather3A_454, %get3A_510 : vector<16xf32>
      %sub3A_520 = arith.subf %gather3A_458, %get3A_514 : vector<16xf32>
      %mul3A_521 = arith.mulf %sub3A_519, %sub3A_519 : vector<16xf32>
      %mul3A_522 = arith.mulf %sub3A_520, %sub3A_520 : vector<16xf32>
      %add3A_523 = arith.addf %mul3A_521, %mul3A_522 : vector<16xf32>
      %min3A_524 = arith.minimumf %min3A_506, %add3A_523 : vector<16xf32>
      %get3A_525 = arith.constant 3 : i32
      %get3A_526 = arith.index_cast %get3A_525 : i32 to index
      %get3A_527 = arith.constant 0 : index
      %get3A_528 = tpu.vector_load %arg6[%get3A_526, %get3A_527] {strides = array<i32>} : memref<40x16xf32, #tpu.memory_space<vmem>>, vector<16xf32>,
      %get3A_529 = arith.constant 23 : i32
      %get3A_530 = arith.index_cast %get3A_529 : i32 to index
      %get3A_531 = arith.constant 0 : index
      %get3A_532 = tpu.vector_load %arg6[%get3A_530, %get3A_531] {strides = array<i32>} : memref<40x16xf32, #tpu.memory_space<vmem>>, vector<16xf32>,
      %ne3A_533 = arith.cmpf one, %get3A_528, %get3A_528 : vector<16xf32>
      %or3A_534 = arith.ori %or3A_518, %ne3A_533 : vector<16xi1>
      %ne3A_535 = arith.cmpf one, %get3A_532, %get3A_532 : vector<16xf32>
      %or3A_536 = arith.ori %or3A_534, %ne3A_535 : vector<16xi1>
      %sub3A_537 = arith.subf %gather3A_454, %get3A_528 : vector<16xf32>
      %sub3A_538 = arith.subf %gather3A_458, %get3A_532 : vector<16xf32>
      %mul3A_539 = arith.mulf %sub3A_537, %sub3A_537 : vector<16xf32>
      %mul3A_540 = arith.mulf %sub3A_538, %sub3A_538 : vector<16xf32>
      %add3A_541 = arith.addf %mul3A_539, %mul3A_540 : vector<16xf32>
      %min3A_542 = arith.minimumf %min3A_524, %add3A_541 : vector<16xf32>
      %get3A_543 = arith.constant 4 : i32
      %get3A_544 = arith.index_cast %get3A_543 : i32 to index
      %get3A_545 = arith.constant 0 : index
      %get3A_546 = tpu.vector_load %arg6[%get3A_544, %get3A_545] {strides = array<i32>} : memref<40x16xf32, #tpu.memory_space<vmem>>, vector<16xf32>,
      %get3A_547 = arith.constant 24 : i32
      %get3A_548 = arith.index_cast %get3A_547 : i32 to index
      %get3A_549 = arith.constant 0 : index
      %get3A_550 = tpu.vector_load %arg6[%get3A_548, %get3A_549] {strides = array<i32>} : memref<40x16xf32, #tpu.memory_space<vmem>>, vector<16xf32>,
      %ne3A_551 = arith.cmpf one, %get3A_546, %get3A_546 : vector<16xf32>
      %or3A_552 = arith.ori %or3A_536, %ne3A_551 : vector<16xi1>
      %ne3A_553 = arith.cmpf one, %get3A_550, %get3A_550 : vector<16xf32>
      %or3A_554 = arith.ori %or3A_552, %ne3A_553 : vector<16xi1>
      %sub3A_555 = arith.subf %gather3A_454, %get3A_546 : vector<16xf32>
      %sub3A_556 = arith.subf %gather3A_458, %get3A_550 : vector<16xf32>
      %mul3A_557 = arith.mulf %sub3A_555, %sub3A_555 : vector<16xf32>
      %mul3A_558 = arith.mulf %sub3A_556, %sub3A_556 : vector<16xf32>
      %add3A_559 = arith.addf %mul3A_557, %mul3A_558 : vector<16xf32>
      %min3A_560 = arith.minimumf %min3A_542, %add3A_559 : vector<16xf32>
      %get3A_561 = arith.constant 5 : i32
      %get3A_562 = arith.index_cast %get3A_561 : i32 to index
      %get3A_563 = arith.constant 0 : index
      %get3A_564 = tpu.vector_load %arg6[%get3A_562, %get3A_563] {strides = array<i32>} : memref<40x16xf32, #tpu.memory_space<vmem>>, vector<16xf32>,
      %get3A_565 = arith.constant 25 : i32
      %get3A_566 = arith.index_cast %get3A_565 : i32 to index
      %get3A_567 = arith.constant 0 : index
      %get3A_568 = tpu.vector_load %arg6[%get3A_566, %get3A_567] {strides = array<i32>} : memref<40x16xf32, #tpu.memory_space<vmem>>, vector<16xf32>,
      %ne3A_569 = arith.cmpf one, %get3A_564, %get3A_564 : vector<16xf32>
      %or3A_570 = arith.ori %or3A_554, %ne3A_569 : vector<16xi1>
      %ne3A_571 = arith.cmpf one, %get3A_568, %get3A_568 : vector<16xf32>
      %or3A_572 = arith.ori %or3A_570, %ne3A_571 : vector<16xi1>
      %sub3A_573 = arith.subf %gather3A_454, %get3A_564 : vector<16xf32>
      %sub3A_574 = arith.subf %gather3A_458, %get3A_568 : vector<16xf32>
      %mul3A_575 = arith.mulf %sub3A_573, %sub3A_573 : vector<16xf32>
      %mul3A_576 = arith.mulf %sub3A_574, %sub3A_574 : vector<16xf32>
      %add3A_577 = arith.addf %mul3A_575, %mul3A_576 : vector<16xf32>
      %min3A_578 = arith.minimumf %min3A_560, %add3A_577 : vector<16xf32>
      %get3A_579 = arith.constant 6 : i32
      %get3A_580 = arith.index_cast %get3A_579 : i32 to index
      %get3A_581 = arith.constant 0 : index
      %get3A_582 = tpu.vector_load %arg6[%get3A_580, %get3A_581] {strides = array<i32>} : memref<40x16xf32, #tpu.memory_space<vmem>>, vector<16xf32>,
      %get3A_583 = arith.constant 26 : i32
      %get3A_584 = arith.index_cast %get3A_583 : i32 to index
      %get3A_585 = arith.constant 0 : index
      %get3A_586 = tpu.vector_load %arg6[%get3A_584, %get3A_585] {strides = array<i32>} : memref<40x16xf32, #tpu.memory_space<vmem>>, vector<16xf32>,
      %ne3A_587 = arith.cmpf one, %get3A_582, %get3A_582 : vector<16xf32>
      %or3A_588 = arith.ori %or3A_572, %ne3A_587 : vector<16xi1>
      %ne3A_589 = arith.cmpf one, %get3A_586, %get3A_586 : vector<16xf32>
      %or3A_590 = arith.ori %or3A_588, %ne3A_589 : vector<16xi1>
      %sub3A_591 = arith.subf %gather3A_454, %get3A_582 : vector<16xf32>
      %sub3A_592 = arith.subf %gather3A_458, %get3A_586 : vector<16xf32>
      %mul3A_593 = arith.mulf %sub3A_591, %sub3A_591 : vector<16xf32>
      %mul3A_594 = arith.mulf %sub3A_592, %sub3A_592 : vector<16xf32>
      %add3A_595 = arith.addf %mul3A_593, %mul3A_594 : vector<16xf32>
      %min3A_596 = arith.minimumf %min3A_578, %add3A_595 : vector<16xf32>
      %get3A_597 = arith.constant 7 : i32
      %get3A_598 = arith.index_cast %get3A_597 : i32 to index
      %get3A_599 = arith.constant 0 : index
      %get3A_600 = tpu.vector_load %arg6[%get3A_598, %get3A_599] {strides = array<i32>} : memref<40x16xf32, #tpu.memory_space<vmem>>, vector<16xf32>,
      %get3A_601 = arith.constant 27 : i32
      %get3A_602 = arith.index_cast %get3A_601 : i32 to index
      %get3A_603 = arith.constant 0 : index
      %get3A_604 = tpu.vector_load %arg6[%get3A_602, %get3A_603] {strides = array<i32>} : memref<40x16xf32, #tpu.memory_space<vmem>>, vector<16xf32>,
      %ne3A_605 = arith.cmpf one, %get3A_600, %get3A_600 : vector<16xf32>
      %or3A_606 = arith.ori %or3A_590, %ne3A_605 : vector<16xi1>
      %ne3A_607 = arith.cmpf one, %get3A_604, %get3A_604 : vector<16xf32>
      %or3A_608 = arith.ori %or3A_606, %ne3A_607 : vector<16xi1>
      %sub3A_609 = arith.subf %gather3A_454, %get3A_600 : vector<16xf32>
      %sub3A_610 = arith.subf %gather3A_458, %get3A_604 : vector<16xf32>
      %mul3A_611 = arith.mulf %sub3A_609, %sub3A_609 : vector<16xf32>
      %mul3A_612 = arith.mulf %sub3A_610, %sub3A_610 : vector<16xf32>
      %add3A_613 = arith.addf %mul3A_611, %mul3A_612 : vector<16xf32>
      %min3A_614 = arith.minimumf %min3A_596, %add3A_613 : vector<16xf32>
      %get3A_615 = arith.constant 8 : i32
      %get3A_616 = arith.index_cast %get3A_615 : i32 to index
      %get3A_617 = arith.constant 0 : index
      %get3A_618 = tpu.vector_load %arg6[%get3A_616, %get3A_617] {strides = array<i32>} : memref<40x16xf32, #tpu.memory_space<vmem>>, vector<16xf32>,
      %get3A_619 = arith.constant 28 : i32
      %get3A_620 = arith.index_cast %get3A_619 : i32 to index
      %get3A_621 = arith.constant 0 : index
      %get3A_622 = tpu.vector_load %arg6[%get3A_620, %get3A_621] {strides = array<i32>} : memref<40x16xf32, #tpu.memory_space<vmem>>, vector<16xf32>,
      %ne3A_623 = arith.cmpf one, %get3A_618, %get3A_618 : vector<16xf32>
      %or3A_624 = arith.ori %or3A_608, %ne3A_623 : vector<16xi1>
      %ne3A_625 = arith.cmpf one, %get3A_622, %get3A_622 : vector<16xf32>
      %or3A_626 = arith.ori %or3A_624, %ne3A_625 : vector<16xi1>
      %sub3A_627 = arith.subf %gather3A_454, %get3A_618 : vector<16xf32>
      %sub3A_628 = arith.subf %gather3A_458, %get3A_622 : vector<16xf32>
      %mul3A_629 = arith.mulf %sub3A_627, %sub3A_627 : vector<16xf32>
      %mul3A_630 = arith.mulf %sub3A_628, %sub3A_628 : vector<16xf32>
      %add3A_631 = arith.addf %mul3A_629, %mul3A_630 : vector<16xf32>
      %min3A_632 = arith.minimumf %min3A_614, %add3A_631 : vector<16xf32>
      %get3A_633 = arith.constant 9 : i32
      %get3A_634 = arith.index_cast %get3A_633 : i32 to index
      %get3A_635 = arith.constant 0 : index
      %get3A_636 = tpu.vector_load %arg6[%get3A_634, %get3A_635] {strides = array<i32>} : memref<40x16xf32, #tpu.memory_space<vmem>>, vector<16xf32>,
      %get3A_637 = arith.constant 29 : i32
      %get3A_638 = arith.index_cast %get3A_637 : i32 to index
      %get3A_639 = arith.constant 0 : index
      %get3A_640 = tpu.vector_load %arg6[%get3A_638, %get3A_639] {strides = array<i32>} : memref<40x16xf32, #tpu.memory_space<vmem>>, vector<16xf32>,
      %ne3A_641 = arith.cmpf one, %get3A_636, %get3A_636 : vector<16xf32>
      %or3A_642 = arith.ori %or3A_626, %ne3A_641 : vector<16xi1>
      %ne3A_643 = arith.cmpf one, %get3A_640, %get3A_640 : vector<16xf32>
      %or3A_644 = arith.ori %or3A_642, %ne3A_643 : vector<16xi1>
      %sub3A_645 = arith.subf %gather3A_454, %get3A_636 : vector<16xf32>
      %sub3A_646 = arith.subf %gather3A_458, %get3A_640 : vector<16xf32>
      %mul3A_647 = arith.mulf %sub3A_645, %sub3A_645 : vector<16xf32>
      %mul3A_648 = arith.mulf %sub3A_646, %sub3A_646 : vector<16xf32>
      %add3A_649 = arith.addf %mul3A_647, %mul3A_648 : vector<16xf32>
      %min3A_650 = arith.minimumf %min3A_632, %add3A_649 : vector<16xf32>
      %get3A_651 = arith.constant 10 : i32
      %get3A_652 = arith.index_cast %get3A_651 : i32 to index
      %get3A_653 = arith.constant 0 : index
      %get3A_654 = tpu.vector_load %arg6[%get3A_652, %get3A_653] {strides = array<i32>} : memref<40x16xf32, #tpu.memory_space<vmem>>, vector<16xf32>,
      %get3A_655 = arith.constant 30 : i32
      %get3A_656 = arith.index_cast %get3A_655 : i32 to index
      %get3A_657 = arith.constant 0 : index
      %get3A_658 = tpu.vector_load %arg6[%get3A_656, %get3A_657] {strides = array<i32>} : memref<40x16xf32, #tpu.memory_space<vmem>>, vector<16xf32>,
      %ne3A_659 = arith.cmpf one, %get3A_654, %get3A_654 : vector<16xf32>
      %or3A_660 = arith.ori %or3A_644, %ne3A_659 : vector<16xi1>
      %ne3A_661 = arith.cmpf one, %get3A_658, %get3A_658 : vector<16xf32>
      %or3A_662 = arith.ori %or3A_660, %ne3A_661 : vector<16xi1>
      %sub3A_663 = arith.subf %gather3A_454, %get3A_654 : vector<16xf32>
      %sub3A_664 = arith.subf %gather3A_458, %get3A_658 : vector<16xf32>
      %mul3A_665 = arith.mulf %sub3A_663, %sub3A_663 : vector<16xf32>
      %mul3A_666 = arith.mulf %sub3A_664, %sub3A_664 : vector<16xf32>
      %add3A_667 = arith.addf %mul3A_665, %mul3A_666 : vector<16xf32>
      %min3A_668 = arith.minimumf %min3A_650, %add3A_667 : vector<16xf32>
      %get3A_669 = arith.constant 11 : i32
      %get3A_670 = arith.index_cast %get3A_669 : i32 to index
      %get3A_671 = arith.constant 0 : index
      %get3A_672 = tpu.vector_load %arg6[%get3A_670, %get3A_671] {strides = array<i32>} : memref<40x16xf32, #tpu.memory_space<vmem>>, vector<16xf32>,
      %get3A_673 = arith.constant 31 : i32
      %get3A_674 = arith.index_cast %get3A_673 : i32 to index
      %get3A_675 = arith.constant 0 : index
      %get3A_676 = tpu.vector_load %arg6[%get3A_674, %get3A_675] {strides = array<i32>} : memref<40x16xf32, #tpu.memory_space<vmem>>, vector<16xf32>,
      %ne3A_677 = arith.cmpf one, %get3A_672, %get3A_672 : vector<16xf32>
      %or3A_678 = arith.ori %or3A_662, %ne3A_677 : vector<16xi1>
      %ne3A_679 = arith.cmpf one, %get3A_676, %get3A_676 : vector<16xf32>
      %or3A_680 = arith.ori %or3A_678, %ne3A_679 : vector<16xi1>
      %sub3A_681 = arith.subf %gather3A_454, %get3A_672 : vector<16xf32>
      %sub3A_682 = arith.subf %gather3A_458, %get3A_676 : vector<16xf32>
      %mul3A_683 = arith.mulf %sub3A_681, %sub3A_681 : vector<16xf32>
      %mul3A_684 = arith.mulf %sub3A_682, %sub3A_682 : vector<16xf32>
      %add3A_685 = arith.addf %mul3A_683, %mul3A_684 : vector<16xf32>
      %min3A_686 = arith.minimumf %min3A_668, %add3A_685 : vector<16xf32>
      %get3A_687 = arith.constant 12 : i32
      %get3A_688 = arith.index_cast %get3A_687 : i32 to index
      %get3A_689 = arith.constant 0 : index
      %get3A_690 = tpu.vector_load %arg6[%get3A_688, %get3A_689] {strides = array<i32>} : memref<40x16xf32, #tpu.memory_space<vmem>>, vector<16xf32>,
      %get3A_691 = arith.constant 32 : i32
      %get3A_692 = arith.index_cast %get3A_691 : i32 to index
      %get3A_693 = arith.constant 0 : index
      %get3A_694 = tpu.vector_load %arg6[%get3A_692, %get3A_693] {strides = array<i32>} : memref<40x16xf32, #tpu.memory_space<vmem>>, vector<16xf32>,
      %ne3A_695 = arith.cmpf one, %get3A_690, %get3A_690 : vector<16xf32>
      %or3A_696 = arith.ori %or3A_680, %ne3A_695 : vector<16xi1>
      %ne3A_697 = arith.cmpf one, %get3A_694, %get3A_694 : vector<16xf32>
      %or3A_698 = arith.ori %or3A_696, %ne3A_697 : vector<16xi1>
      %sub3A_699 = arith.subf %gather3A_454, %get3A_690 : vector<16xf32>
      %sub3A_700 = arith.subf %gather3A_458, %get3A_694 : vector<16xf32>
      %mul3A_701 = arith.mulf %sub3A_699, %sub3A_699 : vector<16xf32>
      %mul3A_702 = arith.mulf %sub3A_700, %sub3A_700 : vector<16xf32>
      %add3A_703 = arith.addf %mul3A_701, %mul3A_702 : vector<16xf32>
      %min3A_704 = arith.minimumf %min3A_686, %add3A_703 : vector<16xf32>
      %get3A_705 = arith.constant 13 : i32
      %get3A_706 = arith.index_cast %get3A_705 : i32 to index
      %get3A_707 = arith.constant 0 : index
      %get3A_708 = tpu.vector_load %arg6[%get3A_706, %get3A_707] {strides = array<i32>} : memref<40x16xf32, #tpu.memory_space<vmem>>, vector<16xf32>,
      %get3A_709 = arith.constant 33 : i32
      %get3A_710 = arith.index_cast %get3A_709 : i32 to index
      %get3A_711 = arith.constant 0 : index
      %get3A_712 = tpu.vector_load %arg6[%get3A_710, %get3A_711] {strides = array<i32>} : memref<40x16xf32, #tpu.memory_space<vmem>>, vector<16xf32>,
      %ne3A_713 = arith.cmpf one, %get3A_708, %get3A_708 : vector<16xf32>
      %or3A_714 = arith.ori %or3A_698, %ne3A_713 : vector<16xi1>
      %ne3A_715 = arith.cmpf one, %get3A_712, %get3A_712 : vector<16xf32>
      %or3A_716 = arith.ori %or3A_714, %ne3A_715 : vector<16xi1>
      %sub3A_717 = arith.subf %gather3A_454, %get3A_708 : vector<16xf32>
      %sub3A_718 = arith.subf %gather3A_458, %get3A_712 : vector<16xf32>
      %mul3A_719 = arith.mulf %sub3A_717, %sub3A_717 : vector<16xf32>
      %mul3A_720 = arith.mulf %sub3A_718, %sub3A_718 : vector<16xf32>
      %add3A_721 = arith.addf %mul3A_719, %mul3A_720 : vector<16xf32>
      %min3A_722 = arith.minimumf %min3A_704, %add3A_721 : vector<16xf32>
      %get3A_723 = arith.constant 14 : i32
      %get3A_724 = arith.index_cast %get3A_723 : i32 to index
      %get3A_725 = arith.constant 0 : index
      %get3A_726 = tpu.vector_load %arg6[%get3A_724, %get3A_725] {strides = array<i32>} : memref<40x16xf32, #tpu.memory_space<vmem>>, vector<16xf32>,
      %get3A_727 = arith.constant 34 : i32
      %get3A_728 = arith.index_cast %get3A_727 : i32 to index
      %get3A_729 = arith.constant 0 : index
      %get3A_730 = tpu.vector_load %arg6[%get3A_728, %get3A_729] {strides = array<i32>} : memref<40x16xf32, #tpu.memory_space<vmem>>, vector<16xf32>,
      %ne3A_731 = arith.cmpf one, %get3A_726, %get3A_726 : vector<16xf32>
      %or3A_732 = arith.ori %or3A_716, %ne3A_731 : vector<16xi1>
      %ne3A_733 = arith.cmpf one, %get3A_730, %get3A_730 : vector<16xf32>
      %or3A_734 = arith.ori %or3A_732, %ne3A_733 : vector<16xi1>
      %sub3A_735 = arith.subf %gather3A_454, %get3A_726 : vector<16xf32>
      %sub3A_736 = arith.subf %gather3A_458, %get3A_730 : vector<16xf32>
      %mul3A_737 = arith.mulf %sub3A_735, %sub3A_735 : vector<16xf32>
      %mul3A_738 = arith.mulf %sub3A_736, %sub3A_736 : vector<16xf32>
      %add3A_739 = arith.addf %mul3A_737, %mul3A_738 : vector<16xf32>
      %min3A_740 = arith.minimumf %min3A_722, %add3A_739 : vector<16xf32>
      %get3A_741 = arith.constant 15 : i32
      %get3A_742 = arith.index_cast %get3A_741 : i32 to index
      %get3A_743 = arith.constant 0 : index
      %get3A_744 = tpu.vector_load %arg6[%get3A_742, %get3A_743] {strides = array<i32>} : memref<40x16xf32, #tpu.memory_space<vmem>>, vector<16xf32>,
      %get3A_745 = arith.constant 35 : i32
      %get3A_746 = arith.index_cast %get3A_745 : i32 to index
      %get3A_747 = arith.constant 0 : index
      %get3A_748 = tpu.vector_load %arg6[%get3A_746, %get3A_747] {strides = array<i32>} : memref<40x16xf32, #tpu.memory_space<vmem>>, vector<16xf32>,
      %ne3A_749 = arith.cmpf one, %get3A_744, %get3A_744 : vector<16xf32>
      %or3A_750 = arith.ori %or3A_734, %ne3A_749 : vector<16xi1>
      %ne3A_751 = arith.cmpf one, %get3A_748, %get3A_748 : vector<16xf32>
      %or3A_752 = arith.ori %or3A_750, %ne3A_751 : vector<16xi1>
      %sub3A_753 = arith.subf %gather3A_454, %get3A_744 : vector<16xf32>
      %sub3A_754 = arith.subf %gather3A_458, %get3A_748 : vector<16xf32>
      %mul3A_755 = arith.mulf %sub3A_753, %sub3A_753 : vector<16xf32>
      %mul3A_756 = arith.mulf %sub3A_754, %sub3A_754 : vector<16xf32>
      %add3A_757 = arith.addf %mul3A_755, %mul3A_756 : vector<16xf32>
      %min3A_758 = arith.minimumf %min3A_740, %add3A_757 : vector<16xf32>
      %get3A_759 = arith.constant 16 : i32
      %get3A_760 = arith.index_cast %get3A_759 : i32 to index
      %get3A_761 = arith.constant 0 : index
      %get3A_762 = tpu.vector_load %arg6[%get3A_760, %get3A_761] {strides = array<i32>} : memref<40x16xf32, #tpu.memory_space<vmem>>, vector<16xf32>,
      %get3A_763 = arith.constant 36 : i32
      %get3A_764 = arith.index_cast %get3A_763 : i32 to index
      %get3A_765 = arith.constant 0 : index
      %get3A_766 = tpu.vector_load %arg6[%get3A_764, %get3A_765] {strides = array<i32>} : memref<40x16xf32, #tpu.memory_space<vmem>>, vector<16xf32>,
      %ne3A_767 = arith.cmpf one, %get3A_762, %get3A_762 : vector<16xf32>
      %or3A_768 = arith.ori %or3A_752, %ne3A_767 : vector<16xi1>
      %ne3A_769 = arith.cmpf one, %get3A_766, %get3A_766 : vector<16xf32>
      %or3A_770 = arith.ori %or3A_768, %ne3A_769 : vector<16xi1>
      %sub3A_771 = arith.subf %gather3A_454, %get3A_762 : vector<16xf32>
      %sub3A_772 = arith.subf %gather3A_458, %get3A_766 : vector<16xf32>
      %mul3A_773 = arith.mulf %sub3A_771, %sub3A_771 : vector<16xf32>
      %mul3A_774 = arith.mulf %sub3A_772, %sub3A_772 : vector<16xf32>
      %add3A_775 = arith.addf %mul3A_773, %mul3A_774 : vector<16xf32>
      %min3A_776 = arith.minimumf %min3A_758, %add3A_775 : vector<16xf32>
      %get3A_777 = arith.constant 17 : i32
      %get3A_778 = arith.index_cast %get3A_777 : i32 to index
      %get3A_779 = arith.constant 0 : index
      %get3A_780 = tpu.vector_load %arg6[%get3A_778, %get3A_779] {strides = array<i32>} : memref<40x16xf32, #tpu.memory_space<vmem>>, vector<16xf32>,
      %get3A_781 = arith.constant 37 : i32
      %get3A_782 = arith.index_cast %get3A_781 : i32 to index
      %get3A_783 = arith.constant 0 : index
      %get3A_784 = tpu.vector_load %arg6[%get3A_782, %get3A_783] {strides = array<i32>} : memref<40x16xf32, #tpu.memory_space<vmem>>, vector<16xf32>,
      %ne3A_785 = arith.cmpf one, %get3A_780, %get3A_780 : vector<16xf32>
      %or3A_786 = arith.ori %or3A_770, %ne3A_785 : vector<16xi1>
      %ne3A_787 = arith.cmpf one, %get3A_784, %get3A_784 : vector<16xf32>
      %or3A_788 = arith.ori %or3A_786, %ne3A_787 : vector<16xi1>
      %sub3A_789 = arith.subf %gather3A_454, %get3A_780 : vector<16xf32>
      %sub3A_790 = arith.subf %gather3A_458, %get3A_784 : vector<16xf32>
      %mul3A_791 = arith.mulf %sub3A_789, %sub3A_789 : vector<16xf32>
      %mul3A_792 = arith.mulf %sub3A_790, %sub3A_790 : vector<16xf32>
      %add3A_793 = arith.addf %mul3A_791, %mul3A_792 : vector<16xf32>
      %min3A_794 = arith.minimumf %min3A_776, %add3A_793 : vector<16xf32>
      %get3A_795 = arith.constant 18 : i32
      %get3A_796 = arith.index_cast %get3A_795 : i32 to index
      %get3A_797 = arith.constant 0 : index
      %get3A_798 = tpu.vector_load %arg6[%get3A_796, %get3A_797] {strides = array<i32>} : memref<40x16xf32, #tpu.memory_space<vmem>>, vector<16xf32>,
      %get3A_799 = arith.constant 38 : i32
      %get3A_800 = arith.index_cast %get3A_799 : i32 to index
      %get3A_801 = arith.constant 0 : index
      %get3A_802 = tpu.vector_load %arg6[%get3A_800, %get3A_801] {strides = array<i32>} : memref<40x16xf32, #tpu.memory_space<vmem>>, vector<16xf32>,
      %ne3A_803 = arith.cmpf one, %get3A_798, %get3A_798 : vector<16xf32>
      %or3A_804 = arith.ori %or3A_788, %ne3A_803 : vector<16xi1>
      %ne3A_805 = arith.cmpf one, %get3A_802, %get3A_802 : vector<16xf32>
      %or3A_806 = arith.ori %or3A_804, %ne3A_805 : vector<16xi1>
      %sub3A_807 = arith.subf %gather3A_454, %get3A_798 : vector<16xf32>
      %sub3A_808 = arith.subf %gather3A_458, %get3A_802 : vector<16xf32>
      %mul3A_809 = arith.mulf %sub3A_807, %sub3A_807 : vector<16xf32>
      %mul3A_810 = arith.mulf %sub3A_808, %sub3A_808 : vector<16xf32>
      %add3A_811 = arith.addf %mul3A_809, %mul3A_810 : vector<16xf32>
      %min3A_812 = arith.minimumf %min3A_794, %add3A_811 : vector<16xf32>
      %get3A_813 = arith.constant 19 : i32
      %get3A_814 = arith.index_cast %get3A_813 : i32 to index
      %get3A_815 = arith.constant 0 : index
      %get3A_816 = tpu.vector_load %arg6[%get3A_814, %get3A_815] {strides = array<i32>} : memref<40x16xf32, #tpu.memory_space<vmem>>, vector<16xf32>,
      %get3A_817 = arith.constant 39 : i32
      %get3A_818 = arith.index_cast %get3A_817 : i32 to index
      %get3A_819 = arith.constant 0 : index
      %get3A_820 = tpu.vector_load %arg6[%get3A_818, %get3A_819] {strides = array<i32>} : memref<40x16xf32, #tpu.memory_space<vmem>>, vector<16xf32>,
      %ne3A_821 = arith.cmpf one, %get3A_816, %get3A_816 : vector<16xf32>
      %or3A_822 = arith.ori %or3A_806, %ne3A_821 : vector<16xi1>
      %ne3A_823 = arith.cmpf one, %get3A_820, %get3A_820 : vector<16xf32>
      %or3A_824 = arith.ori %or3A_822, %ne3A_823 : vector<16xi1>
      %sub3A_825 = arith.subf %gather3A_454, %get3A_816 : vector<16xf32>
      %sub3A_826 = arith.subf %gather3A_458, %get3A_820 : vector<16xf32>
      %mul3A_827 = arith.mulf %sub3A_825, %sub3A_825 : vector<16xf32>
      %mul3A_828 = arith.mulf %sub3A_826, %sub3A_826 : vector<16xf32>
      %add3A_829 = arith.addf %mul3A_827, %mul3A_828 : vector<16xf32>
      %min3A_830 = arith.minimumf %min3A_812, %add3A_829 : vector<16xf32>
      %mul3A_831 = arith.mulf %gather3A_454, %gather3A_454 : vector<16xf32>
      %mul3A_832 = arith.mulf %gather3A_458, %gather3A_458 : vector<16xf32>
      %add3A_833 = arith.addf %mul3A_831, %mul3A_832 : vector<16xf32>
      %select_n3A_834 = arith.select %or3A_824, %add3A_833, %min3A_830 : vector<16xi1>, vector<16xf32>
      %lt3A_835 = arith.constant 1.000000e+04 : f32
      %lt3A_836 = vector.broadcast %lt3A_835 : f32 to vector<16xf32>
      %lt3A_837 = arith.cmpf olt, %select_n3A_834, %lt3A_836 : vector<16xf32>
      %and3A_838 = arith.andi %and3A_466, %lt3A_837 : vector<16xi1>
      %jit3A_839 = arith.constant 1.000000e+00 : f32
      %jit3A_840 = arith.constant 0.000000e+00 : f32
      %broadcast_in_dim3A_841 = vector.broadcast %jit3A_839 : f32 to vector<16xf32>
      %broadcast_in_dim3A_842 = vector.broadcast %jit3A_840 : f32 to vector<16xf32>
      %select_n3A_843 = arith.select %and3A_838, %broadcast_in_dim3A_841, %broadcast_in_dim3A_842 : vector<16xi1>, vector<16xf32>
      %swap3A_844 = arith.constant 0 : i32
      %swap3A_845 = arith.index_cast %swap3A_844 : i32 to index
      %swap3A_846 = arith.constant 0 : index
      %swap3A_847 = tpu.vector_load %arg7[%swap3A_845, %swap3A_846] {strides = array<i32>} : memref<1x16xf32, #tpu.memory_space<vmem>>, vector<16xf32>,
      tpu.vector_store %arg7[%swap3A_845, %swap3A_846], %select_n3A_843 {strides = array<i32>} : memref<1x16xf32, #tpu.memory_space<vmem>>, vector<16xf32>,
      "tpu.region"() ({
        %run_scoped3A = tpu.sem_alloc : memref<!tpu.dma_semaphore, #tpu.memory_space<semaphore_mem>>
        %dma_start3A_848 = arith.constant 0 : i32
        %dma_start3A_849 = arith.constant 0 : i32
        %dma_start3A_850 = tpu.memref_slice %arg4[%add3A_430, %dma_start3A_848, %dma_start3A_849] : memref<40x1x16xf32, #tpu.memory_space<hbm>> -> memref<1x1x16xf32, #tpu.memory_space<hbm>>
        %dma_start3A_851 = tpu.memref_squeeze %dma_start3A_850 : memref<1x1x16xf32, #tpu.memory_space<hbm>> -> memref<1x16xf32, #tpu.memory_space<hbm>>
        %dma_start3A_852 = arith.constant 0 : i32
        %dma_start3A_853 = arith.constant 0 : i32
        %dma_start3A_854 = tpu.memref_slice %arg4[%add3A_430, %dma_start3A_852, %dma_start3A_853] : memref<40x1x16xf32, #tpu.memory_space<hbm>> -> memref<1x1x16xf32, #tpu.memory_space<hbm>>
        %dma_start3A_855 = tpu.memref_squeeze %dma_start3A_854 : memref<1x1x16xf32, #tpu.memory_space<hbm>> -> memref<1x16xf32, #tpu.memory_space<hbm>>
        tpu.enqueue_dma source(%arg7 : memref<1x16xf32, #tpu.memory_space<vmem>>) target(%dma_start3A_855 : memref<1x16xf32, #tpu.memory_space<hbm>>) target_semaphore(%run_scoped3A : memref<!tpu.dma_semaphore, #tpu.memory_space<semaphore_mem>>)
        %dma_wait3A_856 = arith.constant 0 : i32
        %dma_wait3A_857 = arith.constant 0 : i32
        %dma_wait3A_858 = tpu.memref_slice %arg4[%add3A_430, %dma_wait3A_856, %dma_wait3A_857] : memref<40x1x16xf32, #tpu.memory_space<hbm>> -> memref<1x1x16xf32, #tpu.memory_space<hbm>>
        %dma_wait3A_859 = tpu.memref_squeeze %dma_wait3A_858 : memref<1x1x16xf32, #tpu.memory_space<hbm>> -> memref<1x16xf32, #tpu.memory_space<hbm>>
        %dma_wait3A_860 = arith.constant 0 : i32
        %dma_wait3A_861 = arith.constant 0 : i32
        %dma_wait3A_862 = tpu.memref_slice %arg4[%add3A_430, %dma_wait3A_860, %dma_wait3A_861] : memref<40x1x16xf32, #tpu.memory_space<hbm>> -> memref<1x1x16xf32, #tpu.memory_space<hbm>>
        %dma_wait3A_863 = tpu.memref_squeeze %dma_wait3A_862 : memref<1x1x16xf32, #tpu.memory_space<hbm>> -> memref<1x16xf32, #tpu.memory_space<hbm>>
        tpu.wait_dma2 semaphore(%run_scoped3A : memref<!tpu.dma_semaphore, #tpu.memory_space<semaphore_mem>>) src(%arg7 : memref<1x16xf32, #tpu.memory_space<vmem>>) dst(%dma_wait3A_863 : memref<1x16xf32, #tpu.memory_space<hbm>>)
        tpu.yield
      }) : () -> ()
    } else {
    }
    return
  }
}

module attributes {stable_mosaic.version = 14 : i64} {
  func.func @_tc_body(%arg0: memref<1984xf32, #tpu.memory_space<vmem>>, %arg1: memref<64x128xf32, #tpu.memory_space<vmem>>, %arg2: memref<128x128xf32, #tpu.memory_space<vmem>>, %arg3: memref<640xf32, #tpu.memory_space<vmem>>, %arg4: memref<128x258xf32, #tpu.memory_space<vmem>>, %arg5: memref<384x128xf32, #tpu.memory_space<vmem>>, %arg6: memref<384x128xf32, #tpu.memory_space<vmem>>, %arg7: memref<64x10x128xf32, #tpu.memory_space<vmem>>) attributes {dimension_semantics = [], scalar_prefetch = 0 : i64, scratch_operands = 0 : i64, tpu.core_type = #tpu.core_type<tc>} {
    %get3A = arith.constant 0 : index
    %get3A_0 = vector.load %arg0[%get3A] : memref<1984xf32, #tpu.memory_space<vmem>>, vector<1984xf32>
    %slice3A = vector.extract_strided_slice %get3A_0 {offsets = [0], sizes = [128], strides = [1]} : vector<1984xf32> to vector<128xf32>
    %slice3A_1 = vector.extract_strided_slice %get3A_0 {offsets = [128], sizes = [384], strides = [1]} : vector<1984xf32> to vector<384xf32>
    %slice3A_2 = vector.extract_strided_slice %get3A_0 {offsets = [512], sizes = [384], strides = [1]} : vector<1984xf32> to vector<384xf32>
    %slice3A_3 = vector.extract_strided_slice %get3A_0 {offsets = [896], sizes = [128], strides = [1]} : vector<1984xf32> to vector<128xf32>
    %reshape3A = vector.shape_cast %slice3A_3 : vector<128xf32> to vector<1x128xf32>
    %slice3A_4 = vector.extract_strided_slice %get3A_0 {offsets = [1024], sizes = [128], strides = [1]} : vector<1984xf32> to vector<128xf32>
    %reshape3A_5 = vector.shape_cast %slice3A_4 : vector<128xf32> to vector<1x128xf32>
    %slice3A_6 = vector.extract_strided_slice %get3A_0 {offsets = [1152], sizes = [64], strides = [1]} : vector<1984xf32> to vector<64xf32>
    %reshape3A_7 = vector.shape_cast %slice3A_6 : vector<64xf32> to vector<1x64xf32>
    %iota3A = tpu.iota {dimensions = array<i32: 0>} : vector<128x64xi32>
    %convert_element_type3A = arith.sitofp %iota3A : vector<128x64xi32> to vector<128x64xf32>
    %eq3A = vector.broadcast %reshape3A_7 : vector<1x64xf32> to vector<128x64xf32>
    %eq3A_8 = arith.cmpf oeq, %convert_element_type3A, %eq3A : vector<128x64xf32>
    %convert_element_type3A_9 = arith.extui %eq3A_8 : vector<128x64xi1> to vector<128x64xi32>
    %convert_element_type3A_10 = arith.sitofp %convert_element_type3A_9 : vector<128x64xi32> to vector<128x64xf32>
    %get3A_11 = arith.constant 0 : index
    %get3A_12 = arith.constant 0 : index
    %get3A_13 = vector.load %arg2[%get3A_11, %get3A_12] : memref<128x128xf32, #tpu.memory_space<vmem>>, vector<128x128xf32>
    %dot_general3A = arith.constant dense<0.000000e+00> : vector<64x128xf32>
    %dot_general3A_14 = tpu.matmul %convert_element_type3A_10, %get3A_13, %dot_general3A {dimension_numbers = #tpu.dot_dimension_numbers<[0], [0], [1], [1], [0, 1, 1, 1], [], []>, transpose_lhs_hint = false} : vector<128x64xf32>, vector<128x128xf32>, vector<64x128xf32> -> vector<64x128xf32>
    %dot_general3A_15 = arith.constant dense<0.000000e+00> : vector<1x64xf32>
    %dot_general3A_16 = tpu.matmul %reshape3A, %convert_element_type3A_10, %dot_general3A_15 {dimension_numbers = #tpu.dot_dimension_numbers<[1], [0], [0], [1], [0, 0, 1, 1], [], []>, transpose_lhs_hint = false} : vector<1x128xf32>, vector<128x64xf32>, vector<1x64xf32> -> vector<1x64xf32>
    %dot_general3A_17 = arith.constant dense<0.000000e+00> : vector<1x64xf32>
    %dot_general3A_18 = tpu.matmul %reshape3A_5, %convert_element_type3A_10, %dot_general3A_17 {dimension_numbers = #tpu.dot_dimension_numbers<[1], [0], [0], [1], [0, 0, 1, 1], [], []>, transpose_lhs_hint = false} : vector<1x128xf32>, vector<128x64xf32>, vector<1x64xf32> -> vector<1x64xf32>
    %transpose3A = tpu.transpose %dot_general3A_16, [1, 0] : vector<1x64xf32> -> vector<64x1xf32>
    %transpose3A_19 = tpu.transpose %dot_general3A_18, [1, 0] : vector<1x64xf32> -> vector<64x1xf32>
    %concatenate3A = tpu.concatenate %transpose3A, %transpose3A_19 in 1 : vector<64x1xf32>, vector<64x1xf32> -> vector<64x2xf32>
    %get3A_20 = arith.constant 0 : index
    %get3A_21 = arith.constant 0 : index
    %get3A_22 = vector.load %arg1[%get3A_20, %get3A_21] : memref<64x128xf32, #tpu.memory_space<vmem>>, vector<64x128xf32>
    %get3A_23 = arith.constant 0 : index
    %get3A_24 = arith.constant 0 : index
    %get3A_25 = vector.load %arg4[%get3A_23, %get3A_24] : memref<128x258xf32, #tpu.memory_space<vmem>>, vector<128x258xf32>
    %slice3A_26 = vector.extract_strided_slice %get3A_25 {offsets = [0, 2], sizes = [128, 128], strides = [1, 1]} : vector<128x258xf32> to vector<128x128xf32>
    %dot_general3A_27 = arith.constant dense<0.000000e+00> : vector<64x128xf32>
    %dot_general3A_28 = tpu.matmul %dot_general3A_14, %slice3A_26, %dot_general3A_27 {dimension_numbers = #tpu.dot_dimension_numbers<[1], [1], [0], [0], [0, 0, 1, 0], [], []>, transpose_lhs_hint = false} : vector<64x128xf32>, vector<128x128xf32>, vector<64x128xf32> -> vector<64x128xf32>
    %slice3A_29 = vector.extract_strided_slice %get3A_25 {offsets = [0, 130], sizes = [128, 128], strides = [1, 1]} : vector<128x258xf32> to vector<128x128xf32>
    %dot_general3A_30 = arith.constant dense<0.000000e+00> : vector<64x128xf32>
    %dot_general3A_31 = tpu.matmul %get3A_22, %slice3A_29, %dot_general3A_30 {dimension_numbers = #tpu.dot_dimension_numbers<[1], [1], [0], [0], [0, 0, 1, 0], [], []>, transpose_lhs_hint = false} : vector<64x128xf32>, vector<128x128xf32>, vector<64x128xf32> -> vector<64x128xf32>
    %add3A = arith.addf %dot_general3A_28, %dot_general3A_31 : vector<64x128xf32>
    %neg3A = arith.constant 0.000000e+00 : f32
    %neg3A_32 = vector.broadcast %neg3A : f32 to vector<64x2xf32>
    %neg3A_33 = arith.subf %neg3A_32, %concatenate3A : vector<64x2xf32>
    %slice3A_34 = vector.extract_strided_slice %get3A_25 {offsets = [0, 0], sizes = [128, 2], strides = [1, 1]} : vector<128x258xf32> to vector<128x2xf32>
    %dot_general3A_35 = arith.constant dense<0.000000e+00> : vector<64x128xf32>
    %dot_general3A_36 = tpu.matmul %neg3A_33, %slice3A_34, %dot_general3A_35 {dimension_numbers = #tpu.dot_dimension_numbers<[1], [1], [0], [0], [0, 0, 1, 0], [], []>, transpose_lhs_hint = false} : vector<64x2xf32>, vector<128x2xf32>, vector<64x128xf32> -> vector<64x128xf32>
    %add3A_37 = arith.addf %add3A, %dot_general3A_36 : vector<64x128xf32>
    %broadcast_in_dim3A = vector.shape_cast %slice3A : vector<128xf32> to vector<1x128xf32>
    %add3A_38 = vector.broadcast %broadcast_in_dim3A : vector<1x128xf32> to vector<64x128xf32>
    %add3A_39 = arith.addf %add3A_37, %add3A_38 : vector<64x128xf32>
    %max3A = arith.constant 0.000000e+00 : f32
    %max3A_40 = vector.broadcast %max3A : f32 to vector<64x128xf32>
    %max3A_41 = arith.maximumf %add3A_39, %max3A_40 : vector<64x128xf32>
    %get3A_42 = arith.constant 0 : index
    %get3A_43 = arith.constant 0 : index
    %get3A_44 = vector.load %arg5[%get3A_42, %get3A_43] : memref<384x128xf32, #tpu.memory_space<vmem>>, vector<384x128xf32>
    %dot_general3A_45 = arith.constant dense<0.000000e+00> : vector<64x384xf32>
    %dot_general3A_46 = tpu.matmul %max3A_41, %get3A_44, %dot_general3A_45 {dimension_numbers = #tpu.dot_dimension_numbers<[1], [1], [0], [0], [0, 0, 1, 0], [], []>, transpose_lhs_hint = false} : vector<64x128xf32>, vector<384x128xf32>, vector<64x384xf32> -> vector<64x384xf32>
    %broadcast_in_dim3A_47 = vector.shape_cast %slice3A_1 : vector<384xf32> to vector<1x384xf32>
    %add3A_48 = vector.broadcast %broadcast_in_dim3A_47 : vector<1x384xf32> to vector<64x384xf32>
    %add3A_49 = arith.addf %dot_general3A_46, %add3A_48 : vector<64x384xf32>
    %get3A_50 = arith.constant 0 : index
    %get3A_51 = arith.constant 0 : index
    %get3A_52 = vector.load %arg6[%get3A_50, %get3A_51] : memref<384x128xf32, #tpu.memory_space<vmem>>, vector<384x128xf32>
    %dot_general3A_53 = arith.constant dense<0.000000e+00> : vector<64x384xf32>
    %dot_general3A_54 = tpu.matmul %dot_general3A_14, %get3A_52, %dot_general3A_53 {dimension_numbers = #tpu.dot_dimension_numbers<[1], [1], [0], [0], [0, 0, 1, 0], [], []>, transpose_lhs_hint = false} : vector<64x128xf32>, vector<384x128xf32>, vector<64x384xf32> -> vector<64x384xf32>
    %broadcast_in_dim3A_55 = vector.shape_cast %slice3A_2 : vector<384xf32> to vector<1x384xf32>
    %add3A_56 = vector.broadcast %broadcast_in_dim3A_55 : vector<1x384xf32> to vector<64x384xf32>
    %add3A_57 = arith.addf %dot_general3A_54, %add3A_56 : vector<64x384xf32>
    %slice3A_58 = vector.extract_strided_slice %add3A_49 {offsets = [0, 0], sizes = [64, 128], strides = [1, 1]} : vector<64x384xf32> to vector<64x128xf32>
    %slice3A_59 = vector.extract_strided_slice %add3A_57 {offsets = [0, 0], sizes = [64, 128], strides = [1, 1]} : vector<64x384xf32> to vector<64x128xf32>
    %add3A_60 = arith.addf %slice3A_58, %slice3A_59 : vector<64x128xf32>
    %logistic3A = arith.negf %add3A_60 : vector<64x128xf32>
    %logistic3A_61 = math.exp %logistic3A : vector<64x128xf32>
    %logistic3A_62 = arith.constant 1.000000e+00 : f32
    %logistic3A_63 = vector.broadcast %logistic3A_62 : f32 to vector<64x128xf32>
    %logistic3A_64 = arith.addf %logistic3A_63, %logistic3A_61 : vector<64x128xf32>
    %logistic3A_65 = arith.divf %logistic3A_63, %logistic3A_64 : vector<64x128xf32>
    %slice3A_66 = vector.extract_strided_slice %add3A_49 {offsets = [0, 128], sizes = [64, 128], strides = [1, 1]} : vector<64x384xf32> to vector<64x128xf32>
    %slice3A_67 = vector.extract_strided_slice %add3A_57 {offsets = [0, 128], sizes = [64, 128], strides = [1, 1]} : vector<64x384xf32> to vector<64x128xf32>
    %add3A_68 = arith.addf %slice3A_66, %slice3A_67 : vector<64x128xf32>
    %logistic3A_69 = arith.negf %add3A_68 : vector<64x128xf32>
    %logistic3A_70 = math.exp %logistic3A_69 : vector<64x128xf32>
    %logistic3A_71 = arith.constant 1.000000e+00 : f32
    %logistic3A_72 = vector.broadcast %logistic3A_71 : f32 to vector<64x128xf32>
    %logistic3A_73 = arith.addf %logistic3A_72, %logistic3A_70 : vector<64x128xf32>
    %logistic3A_74 = arith.divf %logistic3A_72, %logistic3A_73 : vector<64x128xf32>
    %slice3A_75 = vector.extract_strided_slice %add3A_49 {offsets = [0, 256], sizes = [64, 128], strides = [1, 1]} : vector<64x384xf32> to vector<64x128xf32>
    %slice3A_76 = vector.extract_strided_slice %add3A_57 {offsets = [0, 256], sizes = [64, 128], strides = [1, 1]} : vector<64x384xf32> to vector<64x128xf32>
    %mul3A = arith.mulf %logistic3A_65, %slice3A_76 : vector<64x128xf32>
    %add3A_77 = arith.addf %slice3A_75, %mul3A : vector<64x128xf32>
    %tanh3A = math.tanh %add3A_77 : vector<64x128xf32>
    %sub3A = arith.constant 1.000000e+00 : f32
    %sub3A_78 = vector.broadcast %sub3A : f32 to vector<64x128xf32>
    %sub3A_79 = arith.subf %sub3A_78, %logistic3A_74 : vector<64x128xf32>
    %mul3A_80 = arith.mulf %sub3A_79, %tanh3A : vector<64x128xf32>
    %mul3A_81 = arith.mulf %logistic3A_74, %dot_general3A_14 : vector<64x128xf32>
    %add3A_82 = arith.addf %mul3A_80, %mul3A_81 : vector<64x128xf32>
    %iota3A_83 = tpu.iota {dimensions = array<i32: 0>} : vector<640x64xi32>
    %iota3A_84 = tpu.iota {dimensions = array<i32: 1>} : vector<640x64xi32>
    %mul3A_85 = arith.constant 10 : i32
    %mul3A_86 = vector.broadcast %mul3A_85 : i32 to vector<640x64xi32>
    %mul3A_87 = arith.muli %mul3A_86, %iota3A_84 : vector<640x64xi32>
    %ge3A = arith.cmpi sge, %iota3A_83, %mul3A_87 : vector<640x64xi32>
    %mul3A_88 = arith.constant 10 : i32
    %mul3A_89 = vector.broadcast %mul3A_88 : i32 to vector<640x64xi32>
    %mul3A_90 = arith.muli %mul3A_89, %iota3A_84 : vector<640x64xi32>
    %add3A_91 = arith.constant 10 : i32
    %add3A_92 = vector.broadcast %add3A_91 : i32 to vector<640x64xi32>
    %add3A_93 = arith.addi %mul3A_90, %add3A_92 : vector<640x64xi32>
    %lt3A = arith.cmpi slt, %iota3A_83, %add3A_93 : vector<640x64xi32>
    %and3A = arith.andi %ge3A, %lt3A : vector<640x64xi1>
    %convert_element_type3A_94 = arith.extui %and3A : vector<640x64xi1> to vector<640x64xi32>
    %convert_element_type3A_95 = arith.sitofp %convert_element_type3A_94 : vector<640x64xi32> to vector<640x64xf32>
    %dot_general3A_96 = arith.constant dense<0.000000e+00> : vector<640x128xf32>
    %dot_general3A_97 = tpu.matmul %convert_element_type3A_95, %add3A_82, %dot_general3A_96 {dimension_numbers = #tpu.dot_dimension_numbers<[1], [0], [0], [1], [0, 0, 1, 1], [], []>, transpose_lhs_hint = false} : vector<640x64xf32>, vector<64x128xf32>, vector<640x128xf32> -> vector<640x128xf32>
    %get3A_98 = arith.constant 0 : index
    %get3A_99 = vector.load %arg3[%get3A_98] : memref<640xf32, #tpu.memory_space<vmem>>, vector<640xf32>
    %reshape3A_100 = vector.shape_cast %get3A_99 : vector<640xf32> to vector<640x1xf32>
    %gt3A = arith.constant 5.000000e-01 : f32
    %gt3A_101 = vector.broadcast %gt3A : f32 to vector<640x1xf32>
    %gt3A_102 = arith.cmpf ogt, %reshape3A_100, %gt3A_101 : vector<640x1xf32>
    %jit3A = arith.constant 0.000000e+00 : f32
    %broadcast_in_dim3A_103 = vector.shape_cast %gt3A_102 : vector<640x1xi1> to vector<640x1xi1>
    %broadcast_in_dim3A_104 = vector.broadcast %broadcast_in_dim3A_103 : vector<640x1xi1> to vector<640x128xi1>
    %broadcast_in_dim3A_105 = vector.broadcast %jit3A : f32 to vector<640x128xf32>
    %select_n3A = arith.select %broadcast_in_dim3A_104, %dot_general3A_97, %broadcast_in_dim3A_105 : vector<640x128xi1>, vector<640x128xf32>
    %reshape3A_106 = vector.shape_cast %select_n3A : vector<640x128xf32> to vector<64x10x128xf32>
    %swap3A = arith.constant 0 : index
    %swap3A_107 = arith.constant 0 : index
    %swap3A_108 = arith.constant 0 : index
    %swap3A_109 = vector.load %arg7[%swap3A, %swap3A_107, %swap3A_108] : memref<64x10x128xf32, #tpu.memory_space<vmem>>, vector<64x10x128xf32>
    tpu.vector_store %arg7[%swap3A, %swap3A_107, %swap3A_108], %reshape3A_106 {strides = array<i32>} : memref<64x10x128xf32, #tpu.memory_space<vmem>>, vector<64x10x128xf32>,
    return
  }
}

</mosaic_0001>

<sc_bundles>
// kernel: kernel.4.cloned.1.call-start
scs
__scs_entry_jumppad:
0x0: {  	(pc) =	sbr.rel $0x88, $3  }
0x1: {  	(tag) =	ssettag $0x0;
	lr =	simm.s32 $0x1  }
0x2: {  	[smem:$0x3F94] =	sst lr;
	_ =	strace $0xD0000000  }
0x3: {  	_ = 	snop  }
0x4: {  	_ = 	snop  }
0x5: {  	_ = 	snop  }
0x6: {  	_ = 	snop  }
0x7: {  	_ = 	snop  }
__scs_overlays_trampoline_lowered:
0x8: {  	[smem:$0x3FA3] =	sst s0  }
0x9: {  	[smem:$0x3FA4] =	sst s1  }
0xa: {  	[smem:$0x3FA5] =	sst s2  }
0xb: {  	[smem:$0x3FA6] =	sst s3  }
0xc: {  	[smem:$0x3FA7] =	sst s4  }
0xd: {  	[smem:$0x3FA8] =	sst s5  }
0xe: {  	[smem:$0x3FA9] =	sst s6  }
0xf: {  	[smem:$0x3FAA] =	sst s7  }
0x10: {  	[smem:$0x3FAB] =	sst s8  }
0x11: {  	[smem:$0x3FAC] =	sst s9;
	s0 =	simm.s32 @!p0 $0x0  }
0x12: {  	s1 =	sld [smem:$0x3F92];
	s0 =	simm.s32 @p0 $0x1  }
0x13: {  	[smem:$0x3FAD] =	sst s0;
	s0 =	simm.s32 @!p1 $0x0  }
0x14: {  	s2 =	sld [smem:$0x3F91];
	s0 =	simm.s32 @p1 $0x1  }
0x15: {  	[smem:$0x3FAE] =	sst s0;
	s0 =	simm.s32 @!p2 $0x0  }
0x16: {  	s3 =	sld [smem:$0x3FDB];
	s0 =	simm.s32 @p2 $0x1  }
0x17: {  	s4 =	simm.s32 $0x1BF5;
	[smem:$0x3FB0] =	sst s0  }
0x18: {  	s0 =	sld [smem:$0x3F93];
	_ =	swait.ge [sflag:s4], $0x0  }
0x19: {  	s7 =	sld [smem:$0x3F94]  }
0x1a: {  	s8 =	sadd.s32 $0xFFFFE003, lr  }
0x1b: {  	s9 =	sadd.s32 $0xFFFFFEF7, lr;
	s5 =	simm.s32 $0xFFFFFFFF;
	p2 =	slt.u32 s8, $0xFFFFF086  }
0x1c: {  	p1 =	slt.u32 s9, $0xF7A;
	s5 =	simm.s32 @!p2 $0x0  }
0x1d: {  	s5 =	simm.s32 @p1 $0x1;
	p0 =	seq.s32 s7, s2  }
0x1e: {  	s7 =	smul.u32 @!p0 $0xF7A, s2;
	p2 =	seq.s32 @!p0 s5, $0x0  }
0x1f: {  	s9 =	smul.u32 $0xF7A, s1;
	s8 =	simm.s32 @!p0 $0x1BF5;
	p2 =	por !p2, p0  }
0x20: {  	[sflag:s8] =	ssyncset.s32 @!p0 $0xFFFFF086;
	s6 =	sadd.s32 @!p0 s3, s7;
	s7 =	simm.s32 @!p0 $0x108  }
0x21: {  	s3 =	sadd.s32 s3, s9;
	s6 =	sadd.s32 @!p0 $0x88, s6;
	s7 =	simm.s32 @p2 $0x1082  }
0x22: {  	[simem:s7], [sflag:s8] =	dma.local @!p0 [hbm:s6], $0xF7A  }
0x23: {  	s9 =	sor.u32 $0xD0000000, s2;
	s6 =	simm.s32 $0x108;
	_ =	swait.ge @!p0 [sflag:s8], $0x0  }
0x24: {  	s3 =	sadd.s32 $0x88, s3;
	s6 =	simm.s32 @!p1 $0x1082;
	[sflag:s4] =	ssyncset.s32 $0xFFFFF086  }
0x25: {  	[simem:s6], [sflag:s4] =	dma.local [hbm:s3], $0xF7A  }
0x26: {  	[smem:$0x3F94] =	sst s1;
	(tag) =	ssettag s2;
	_ =	strace s9  }
0x27: {  	s1 =	sld [smem:$0x3FA4]  }
0x28: {  	s2 =	sld [smem:$0x3FA5]  }
0x29: {  	s4 =	sld [smem:$0x3FA7]  }
0x2a: {  	p0 =	seq.s32 s5, $0x0;
	s5 =	sld [smem:$0x3FA8]  }
0x2b: {  	s6 =	sld [smem:$0x3FA9]  }
0x2c: {  	s7 =	sld [smem:$0x3FAA]  }
0x2d: {  	s3 =	simm.s32 $0x108;
	s8 =	sld [smem:$0x3FAB]  }
0x2e: {  	s3 =	simm.s32 @!p0 $0x1082;
	s9 =	sld [smem:$0x3FAC]  }
0x2f: {  	lr =	sadd.s32 s0, s3;
	s0 =	sld [smem:$0x3FA3]  }
0x30: {  	s3 =	sld [smem:$0x3FA6]  }
0x31: {  	[smem:$0x3FAF] =	sst s10  }
0x32: {  	s10 =	sld [smem:$0x3FAD];
	_ =	sdelay $0x3  }
0x33: {  	p0 =	seq.s32 s10, $0x1;
	s10 =	sld [smem:$0x3FAF];
	_ =	sdelay $0x3  }
0x34: {  	[smem:$0x3FAF] =	sst s10  }
0x35: {  	s10 =	sld [smem:$0x3FAE];
	_ =	sdelay $0x3  }
0x36: {  	p1 =	seq.s32 s10, $0x1;
	s10 =	sld [smem:$0x3FAF];
	_ =	sdelay $0x3  }
0x37: {  	[smem:$0x3FAF] =	sst s10  }
0x38: {  	s10 =	sld [smem:$0x3FB0]  }
0x39: {  	_ = 	snop;
	(pc) =	sbr.ind lr, $3  }
0x3a: {  	_ = 	snop  }
0x3b: {  	_ = 	snop  }
0x3c: {  	p2 =	seq.s32 s10, $0x1;
	s10 =	sld [smem:$0x3FAF]  }
0x3d: {  	_ =	shalt  }
0x3e: {  	_ =	shalt  }
0x3f: {  	_ =	shalt  }
0x40: {  	_ =	shalt  }
0x41: {  	_ =	shalt  }
0x42: {  	_ =	shalt  }
0x43: {  	_ =	shalt  }
0x44: {  	_ =	shalt  }
0x45: {  	_ =	shalt  }
0x46: {  	_ =	shalt  }
0x47: {  	_ =	shalt  }
0x48: {  	_ =	shalt  }
0x49: {  	_ =	shalt  }
0x4a: {  	_ =	shalt  }
0x4b: {  	_ =	shalt  }
0x4c: {  	_ =	shalt  }
0x4d: {  	_ =	shalt  }
0x4e: {  	_ =	shalt  }
0x4f: {  	_ =	shalt  }
0x50: {  	_ =	shalt  }
0x51: {  	_ =	shalt  }
0x52: {  	_ =	shalt  }
0x53: {  	_ =	shalt  }
0x54: {  	_ =	shalt  }
0x55: {  	_ =	shalt  }
0x56: {  	_ =	shalt  }
0x57: {  	_ =	shalt  }
0x58: {  	_ =	shalt  }
0x59: {  	_ =	shalt  }
0x5a: {  	_ =	shalt  }
0x5b: {  	_ =	shalt  }
0x5c: {  	_ =	shalt  }
0x5d: {  	_ =	shalt  }
0x5e: {  	_ =	shalt  }
0x5f: {  	_ =	shalt  }
0x60: {  	_ =	shalt  }
0x61: {  	_ =	shalt  }
0x62: {  	_ =	shalt  }
0x63: {  	_ =	shalt  }
0x64: {  	_ =	shalt  }
0x65: {  	_ =	shalt  }
0x66: {  	_ =	shalt  }
0x67: {  	_ =	shalt  }
0x68: {  	_ =	shalt  }
0x69: {  	_ =	shalt  }
0x6a: {  	_ =	shalt  }
0x6b: {  	_ =	shalt  }
0x6c: {  	_ =	shalt  }
0x6d: {  	_ =	shalt  }
0x6e: {  	_ =	shalt  }
0x6f: {  	_ =	shalt  }
0x70: {  	_ =	shalt  }
0x71: {  	_ =	shalt  }
0x72: {  	_ =	shalt  }
0x73: {  	_ =	shalt  }
0x74: {  	_ =	shalt  }
0x75: {  	_ =	shalt  }
0x76: {  	_ =	shalt  }
0x77: {  	_ =	shalt  }
0x78: {  	_ =	shalt  }
0x79: {  	_ =	shalt  }
0x7a: {  	_ =	shalt  }
0x7b: {  	_ =	shalt  }
0x7c: {  	_ =	shalt  }
0x7d: {  	_ =	shalt  }
0x7e: {  	_ =	shalt  }
0x7f: {  	_ =	shalt  }
0x80: {  	_ =	shalt  }
0x81: {  	_ =	shalt  }
0x82: {  	_ =	shalt  }
0x83: {  	_ =	shalt  }
0x84: {  	_ =	shalt  }
0x85: {  	_ =	shalt  }
0x86: {  	_ =	shalt  }
0x87: {  	_ =	shalt  }
.Lfunc_end0:
.L_simem_size_0:
called_computation_lowered:
.L_overlay_start_0:
0x88: {  	s2 =	sld [smem:$0x3FD9]  }
0x89: {  	s3 =	sld [smem:$0x3FFE];
	_ =	sdelay $0x1  }
0x8a: {  	s1 =	srdreg.scid  }
0x8b: {  	s0 =	sand.u32 $0x1, s1  }
0x8c: {  	s14 =	sshll.u32 s0, $0xA;
	s2 =	sadd.s32 s3, s2  }
0x8d: {  	s2 =	sadd.s32 s2, s14  }
0x8e: {  	[smem:$0x3FBB] =	sst s2  }
0x8f: {  	_ = 	snop  }
0x90: {  	s2 =	sld [smem:$0x3FD0];
	_ =	sdelay $0x2  }
0x91: {  	s15 =	simm.s32 $0xA;
	s4 =	simm.s32 $0x10  }
0x92: {  	[smem:s4], [sflag:s15] =	dma.local [hbm:s2], $0x1  }
0x93: {  	_ =	swait.eq [sflag:s15], $0x1  }
0x94: {  	[sflag:s15] =	ssyncset.done $0x0  }
0x95: {  	s16 =	sld [smem:$0x10];
	[sflag:s15] =	ssyncadd.s32 $0xFFFFFFFF  }
0x96: {  	s17 =	sld [smem:$0x11];
	(tm) =	ssettm $0x1  }
0x97: {  	s18 =	sld [smem:$0x3FFB];
	_ =	sdelay $0x3  }
0x98: {  	_ =	strace s18  }
0x99: {  	s4 =	sld [smem:$0x3FFC];
	_ =	sdelay $0x3  }
0x9a: {  	_ =	strace s4  }
0x9b: {  	s4 =	sld [smem:$0x3FFD];
	_ =	sdelay $0x3  }
0x9c: {  	_ =	strace s4  }
0x9d: {  	_ =	strace $0x8FFFFFFF  }
0x9e: {  	s19 =	sld [smem:$0x3FDB];
	_ =	sdelay $0x1  }
0x9f: {  	s5 =	simm.s32 $_scs_section_size  }
0xa0: {  	s6 =	simm.s32 $_size__tile_overlayer_lowered;
	s7 =	simm.s32 $_tile_overlayer_lowered  }
0xa1: {  	s22 =	simm.s32 $0x1BFF;
	s21 =	sshll.u32 s7, $0x1;
	s4 =	sadd.s32 s5, s19  }
0xa2: {  	s8 =	simm.s32 $0x0;
	s20 =	sshll.u32 s6, $0x1;
	s6 =	sadd.s32 s21, s4  }
0xa3: {  	[timem:s8], [sflag:s22] =	dma.local [hbm:s6], s20  }
0xa4: {  	_ =	swait.ge [sflag:s22], s20  }
0xa5: {  	s5 =	ssub.s32 $0x0, s20;
	[sflag:s22] =	ssyncset.done $0x0  }
0xa6: {  	[sflag:s22] =	ssyncadd.s32 s5;
	_ =	sdelay $0x1  }
0xa7: {  	s23 =	simm.s32 $0x1B8B  }
0xa8: {  	_ =	swait.ge [sflag:s23], $0x1  }
0xa9: {  	[sflag:s23] =	ssyncset.done $0x0  }
0xaa: {  	s25 =	simm.s32 $0x1B8E;
	s24 =	sld [smem:$0x3FFE];
	[sflag:s23] =	ssyncadd.s32 $0xFFFFFFFF  }
0xab: {  	s26 =	simm.s32 $execute0_lowered;
	[smem:$0x3FD2] =	sst s25  }
0xac: {  	s6 =	sshll.u32 s26, $0x1;
	_ =	strace $0x80000046;
	[dreg:$0x1] =	wrdreg $0xFFFFFFFF  }
0xad: {  	s28 =	simm.s32 $_size_execute0_lowered;
	s4 =	sadd.s32 s4, s6;
	[dreg:$0x0] =	wrdreg $0x0  }
0xae: {  	s6 =	sshll.u32 s28, $0x1;
	[dreg:$0x2] =	wrdreg s4  }
0xaf: {  	[dreg:$0x3] =	wrdreg s6  }
0xb0: {  	[dreg:$0x4] =	wrdreg $0xC0  }
0xb1: {  	_ =	task [dreg:s8], $0x5FFFF  }
0xb2: {  	[dreg:$0x1] =	wrdreg $0xFFFFFFFF  }
0xb3: {  	[dreg:$0x0] =	wrdreg $0x60  }
0xb4: {  	[dreg:$0x2] =	wrdreg s16  }
0xb5: {  	[dreg:$0x3] =	wrdreg s17  }
0xb6: {  	[dreg:$0x4] =	wrdreg s24  }
0xb7: {  	[dreg:$0x5] =	wrdreg $0x9  }
0xb8: {  	_ =	task.clear_ibuf [dreg:s8], $0x6FFFF;
	_ =	strace $0x90000046  }
0xb9: {  	s29 =	simm.s32 $0x9;
	_ =	strace $0x80000048  }
0xba: {  	_ =	swait.ge [sflag:s29], $0x1  }
0xbb: {  	[sflag:s29] =	ssyncadd.s32 $0xFFFFFFFF  }
0xbc: {  	_ =	strace $0x90000048  }
0xbd: {  	_ =	sfence  }
0xbe: {  	s30 =	sld [smem:$0x0];
	_ =	sdelay $0x2  }
0xbf: {  	s31 =	sshll.u32 s1, $0xD;
	s1 =	sshrl.u32 s1, $0x2  }
0xc0: {  	s3 =	sand.u32 $0x4000, s31;
	s1 =	sadd.s32 s1, s30  }
0xc1: {  	s0 =	sor.u32 s3, s0;
	s1 =	sshll.u32 s1, $0x11  }
0xc2: {  	s0 =	sor.u32 s1, s0  }
0xc3: {  	s0 =	sadd.s32 $0x8F2B, s0  }
0xc4: {  	[sflag:s0] =	ssyncadd.remote.s32 $0x1  }
0xc5: {  	_ =	sfence.sel $0xFFFF  }
0xc6: {  	[dreg:$0x0] =	wrdreg $0xFFFFFFFF;
	(pc) =	sbr.abs _section_cstart, $3  }
0xc7: {  	[dreg:$0x1] =	wrdreg $0xFFFFFFFF  }
0xc8: {  	_ =	task.clear_ibuf [dreg:s8], $0x2FFFF;
	_ =	strace $0x9FFFFFFF  }
0xc9: {  	(tm) =	ssettm $0x7FFFFFFF  }
tec
execute0_lowered:
.L_overlay_start_1:
0x0: {  	(tag) =	ssettag $0x1  }
0x1: {  	s3 =	rddreg [dreg:$0x0]  }
0x2: {  	s6 =	rddreg [dreg:$0x1]  }
0x3: {  	s4 =	rddreg [dreg:$0x2];
	s2 =	srdreg.scid  }
0x4: {  	s1 =	stileid.u32;
	s0 =	rddreg [dreg:$0x3]  }
0x5: {  	s13 =	simm.s32 $0x3;
	s5 =	sand.u32 $0x1, s2;
	s7 =	sshll.u32 s1, $0x1  }
0x6: {  	s2 =	simm.s32 $0x0;
	s10 =	sadd.s32 $0x1E00, s4;
	s3 =	sadd.s32 $0x70, s3  }
0x7: {  	p0 =	sgt.u32 s1, $0x3;
	s8 =	ssub.s32 $0x2, s5;
	s5 =	sor.u32 s5, s7  }
0x8: {  	[smem:$0x7FF] =	sst s2;
	s29 =	sshrl.u32 s8, $0x1;
	s9 =	smul.u32 $0x50, s5  }
0x9: {  	_ =	strace $0x80000047;
	s30 =	sor.u32 $0x20, s5;
	s31 =	sshll.u32 s5, $0x4  }
.Ltmp0:
0xa: {  	v0 =	vlaneseq.u32;
	s5 =	sshll.u32 s5, $0x1;
	s8 =	ssub.s32 s8, s29;
	(pc) =	sbr.rel .LBB2_1-.Ltmp0, $4  }
0xb: {  	v1 =	vor.u32 $0x1C0, v0;
	s11 =	smul.u32 $0x50, s30;
	s12 =	sshll.u32 s30, $0x4;
	s7 =	sshll.u32 s30, $0x1  }
0xc: {  	s5 =	sadd.s32 s10, s5;
	v2 =	vadd.s32 s31, v1;
	s4 =	sadd.s32 s6, s9;
	v1 =	vadd.s32 s12, v1;
	s7 =	sadd.s32 s10, s7  }
0xd: {  	v3 =	vand.u32 $0x7, v0;
	s8 =	smax.u32 s8, $0x1;
	v2 =	vand.u32 $0x7FFFFFF8, v2;
	s9 =	simm.s32 $0x440;
	s10 =	simm.s32 $0x1;
	v1 =	vand.u32 $0x7FFFFFF8, v1  }
0xe: {  	s12 =	simm.s32 $0x6C0;
	s6 =	sadd.s32 s6, s11;
	v0 =	vor.u32 v3, v2;
	s11 =	simm.s32 $0x2;
	v2 =	vimm.f32 $0.0e+00;
	v1 =	vor.u32 v3, v1  }
.LBB2_3:
0xf: {  	s8 =	sadd.s32 $0xFFFFFFFF, s8  }
0x10: {  	p1 =	sne.s32 s8, $0x0  }
.Ltmp1:
0x11: {  	_ = 	snop;
	(pc) =	sbr.rel @!p1 .LBB2_4-.Ltmp1, $1  }
0x12: {  	_ =	sdelay $0x3  }
.LBB2_1:
0x13: {  	[tilespmem:s2], [sflag:$0x1] =	stream.linear.gather [hbm4b:s3+s2], $0x440, $0x38;
	[tilespmem:$0x6D0] =	vst v63  }
0x14: {  	_ = 	snop  }
0x15: {  	[tilespmem:s9], [sflag:$0x2] =	stream.linear.gather [hbm4b:s4+s2], $0x280, $0x38;
	[tilespmem:$0x6D0] =	vst v63  }
0x16: {  	_ =	swait.ge [sflag:s10], $0x440  }
0x17: {  	[sflag:s10] =	ssyncset.done $0x0  }
0x18: {  	[sflag:s10] =	ssyncadd.s32 $0xFFFFFBC0  }
0x19: {  	_ =	swait.ge [sflag:s11], $0x280  }
0x1a: {  	[sflag:s11] =	ssyncset.done $0x0  }
0x1b: {  	[sflag:s11] =	ssyncadd.s32 $0xFFFFFD80  }
0x1c: {  	v3 =	vld.idx.msk [tilespmem:v0+s2+$0x0], $0xffff;
	_ =	sdelay $0x4  }
0x1d: {  	v3 =	vtrunc.f32 v3  }
0x1e: {  	v6 =	vcvt.f32.s32 v3;
	_ =	sdelay $0x1  }
0x1f: {  	v3 =	vadd.s32 $0x100, v6;
	_ =	sdelay $0x4  }
0x20: {  	v3 =	vld.idx.msk [tilespmem:v3+s2+$0x0], $0xffff  }
0x21: {  	v42 =	vld [tilespmem:$0x440]  }
0x22: {  	v8 =	vld [tilespmem:$0x580]  }
0x23: {  	v9 =	vld [tilespmem:$0x450]  }
0x24: {  	v10 =	vld [tilespmem:$0x590]  }
0x25: {  	v11 =	vld [tilespmem:$0x460];
	v4 =	vtrunc.f32 v3  }
0x26: {  	v12 =	vld [tilespmem:$0x5A0];
	v4 =	vcvt.f32.s32 v4  }
0x27: {  	v13 =	vld [tilespmem:$0x470]  }
0x28: {  	v15 =	vld [tilespmem:$0x480]  }
0x29: {  	v16 =	vld [tilespmem:$0x490]  }
0x2a: {  	v18 =	vld [tilespmem:$0x4A0]  }
0x2b: {  	v55 =	vld [tilespmem:$0x4D0]  }
0x2c: {  	v7 =	vadd.s32 $0x80, v4;
	v5 =	vld.idx.msk [tilespmem:v4+s2+$0x0], $0xffff  }
0x2d: {  	v58 =	vld [tilespmem:$0x4E0]  }
0x2e: {  	v62 =	vld [tilespmem:$0x4F0]  }
0x2f: {  	v22 =	vld [tilespmem:$0x500]  }
0x30: {  	v41 =	vld [tilespmem:$0x540]  }
0x31: {  	v4 =	vld.idx.msk [tilespmem:v7+s2+$0x0], $0xffff;
	v7 =	vsub.f32 v5, v42;
	v9 =	vsub.f32 v5, v9  }
0x32: {  	v14 =	vld [tilespmem:$0x5B0];
	v11 =	vsub.f32 v5, v11;
	v13 =	vsub.f32 v5, v13  }
0x33: {  	v17 =	vld [tilespmem:$0x5D0];
	v15 =	vsub.f32 v5, v15;
	v52 =	vsub.f32 v5, v16  }
0x34: {  	v19 =	vld [tilespmem:$0x5E0];
	v54 =	vsub.f32 v5, v18;
	v20 =	vsub.f32 v5, v55  }
0x35: {  	v57 =	vld [tilespmem:$0x610];
	v26 =	vsub.f32 v5, v58;
	v32 =	vsub.f32 v5, v62  }
0x36: {  	v59 =	vld [tilespmem:$0x620];
	v35 =	vsub.f32 v5, v22;
	v18 =	vsub.f32 v5, v41  }
0x37: {  	v63 =	vld [tilespmem:$0x630];
	v8 =	vsub.f32 v4, v8;
	v10 =	vsub.f32 v4, v10  }
0x38: {  	v29 =	vld [tilespmem:$0x650];
	v55 =	vadd.s32 $0x140, v6;
	v12 =	vsub.f32 v4, v12;
	v14 =	vsub.f32 v4, v14  }
0x39: {  	v48 =	vld [tilespmem:$0x5F0];
	v6 =	vadd.s32 $0x180, v6;
	v53 =	vsub.f32 v4, v17;
	v56 =	vsub.f32 v4, v19  }
0x3a: {  	v46 =	vld [tilespmem:$0x4B0];
	v21 =	vsub.f32 v4, v57;
	v7 =	vmul.f32 v7, v7;
	v9 =	vmul.f32 v9, v9  }
0x3b: {  	v36 =	vld [tilespmem:$0x530];
	v28 =	vsub.f32 v4, v59;
	v11 =	vmul.f32 v11, v11;
	v44 =	vmul.f32 v13, v13  }
0x3c: {  	v39 =	vld [tilespmem:$0x670];
	v33 =	vsub.f32 v4, v63;
	v47 =	vmul.f32 v15, v15;
	v30 =	vmul.f32 v26, v26  }
0x3d: {  	v43 =	vld [tilespmem:$0x5C0];
	v40 =	vsub.f32 v4, v29;
	v37 =	vmul.f32 v32, v32;
	v59 =	vmul.f32 v18, v18  }
0x3e: {  	v50 =	vld [tilespmem:$0x4C0];
	v15 =	vsub.f32 v4, v48;
	v8 =	vmul.f32 v8, v8;
	v10 =	vmul.f32 v10, v10  }
0x3f: {  	v27 =	vld [tilespmem:$0x510];
	v12 =	vmul.f32 v12, v12;
	v45 =	vmul.f32 v14, v14;
	v14 =	vsub.f32 v5, v46  }
0x40: {  	v34 =	vld [tilespmem:$0x660];
	v16 =	vmul.f32 v56, v56;
	v25 =	vmul.f32 v21, v21;
	v46 =	vsub.f32 v5, v36  }
0x41: {  	v61 =	vmul.f32 v15, v15;
	v15 =	vsub.f32 v4, v39;
	v7 =	vadd.f32 v8, v7  }
0x42: {  	v38 =	vmul.f32 v33, v33;
	v8 =	vsub.f32 v4, v43;
	v9 =	vadd.f32 v10, v9  }
0x43: {  	v11 =	vadd.f32 v12, v11;
	v49 =	vadd.f32 v45, v44;
	v12 =	vmul.f32 v53, v53  }
0x44: {  	v51 =	vld [tilespmem:$0x600];
	v10 =	vsub.f32 v5, v50;
	v60 =	vmul.f32 v14, v14;
	v14 =	vsub.f32 v5, v27  }
0x45: {  	v31 =	vld [tilespmem:$0x520];
	v44 =	vsub.f32 v4, v34;
	v7 =	vmin.f32 v7, $3.399999950e+38;
	v8 =	vmul.f32 v8, v8  }
0x46: {  	v10 =	vmul.f32 v10, v10;
	v23 =	vadd.f32 v61, v60;
	v7 =	vmin.f32 v7, v9  }
0x47: {  	v43 =	vld [tilespmem:$0x680];
	v42 =	vmul.f32 v14, v14;
	v7 =	vmin.f32 v7, v11;
	v8 =	vadd.f32 v8, v47  }
0x48: {  	v9 =	vmul.f32 v52, v52;
	v52 =	vmul.f32 v15, v15;
	v7 =	vmin.f32 v7, v49  }
0x49: {  	v24 =	vld [tilespmem:$0x640];
	v11 =	vsub.f32 v4, v51;
	v7 =	vmin.f32 v7, v8;
	v8 =	vmul.f32 v54, v54  }
0x4a: {  	v45 =	vld [tilespmem:$0x550];
	v51 =	vmul.f32 v46, v46;
	v9 =	vadd.f32 v12, v9;
	v12 =	vsub.f32 v5, v31  }
0x4b: {  	v49 =	vmul.f32 v44, v44;
	v11 =	vmul.f32 v11, v11;
	v8 =	vadd.f32 v16, v8  }
0x4c: {  	v13 =	vsub.f32 v4, v43;
	v7 =	vmin.f32 v7, v9;
	v9 =	vmul.f32 v20, v20  }
0x4d: {  	v50 =	vld [tilespmem:$0x560];
	v10 =	vadd.f32 v11, v10;
	v7 =	vmin.f32 v7, v8;
	v8 =	vmul.f32 v28, v28  }
0x4e: {  	v53 =	vld [tilespmem:$0x570];
	v11 =	vsub.f32 v4, v24;
	v9 =	vadd.f32 v25, v9;
	v7 =	vmin.f32 v7, v23  }
0x4f: {  	v56 =	vld [tilespmem:$0x6B0];
	v57 =	vsub.f32 v5, v45;
	v7 =	vmin.f32 v7, v10;
	v8 =	vadd.f32 v8, v30  }
0x50: {  	v47 =	vld [tilespmem:$0x690];
	v11 =	vmul.f32 v11, v11;
	v7 =	vmin.f32 v7, v9;
	v9 =	vmul.f32 v35, v35  }
0x51: {  	v54 =	vld [tilespmem:$0x6A0];
	v10 =	vadd.f32 v38, v37;
	v7 =	vmin.f32 v7, v8;
	v8 =	vmul.f32 v40, v40  }
0x52: {  	v14 =	vsub.f32 v5, v50;
	v48 =	vmul.f32 v12, v12;
	v9 =	vadd.f32 v11, v9  }
0x53: {  	v5 =	vsub.f32 v5, v53;
	v7 =	vmin.f32 v7, v10;
	v8 =	vadd.f32 v8, v42  }
0x54: {  	v13 =	vmul.f32 v13, v13;
	v11 =	vadd.f32 v49, v48;
	v7 =	vmin.f32 v7, v9  }
0x55: {  	v58 =	vsub.f32 v4, v47;
	v9 =	vadd.f32 v52, v51;
	v7 =	vmin.f32 v7, v8  }
0x56: {  	v8 =	vsub.f32 v4, v54;
	v4 =	vsub.f32 v4, v56;
	v7 =	vmin.f32 v7, v11  }
0x57: {  	v6 =	vld.idx.msk [tilespmem:v6+s2+$0x0], $0xffff;
	v11 =	vmul.f32 v57, v57;
	v7 =	vmin.f32 v7, v9;
	v9 =	vmul.f32 v58, v58  }
0x58: {  	v60 =	vld.idx.msk [tilespmem:v55+s2+$0x0], $0xffff;
	v62 =	vmul.f32 v14, v14;
	v61 =	vadd.f32 v13, v59;
	v8 =	vmul.f32 v8, v8  }
0x59: {  	v5 =	vmul.f32 v5, v5;
	v4 =	vmul.f32 v4, v4;
	v9 =	vadd.f32 v9, v11  }
0x5a: {  	v7 =	vmin.f32 v7, v61;
	v8 =	vadd.f32 v8, v62  }
0x5b: {  	v4 =	vadd.f32 v4, v5;
	v7 =	vmin.f32 v7, v9  }
0x5c: {  	v63 =	vmin.f32 v7, v8  }
0x5d: {  	vm0 =	vgt.f32 v6, $0.0e+00;
	vm1 =	vgt.f32 v60, v3;
	v3 =	vmin.f32 v63, v4  }
0x5e: {  	vm0 =	vmand vm1, vm0;
	vm15 =	vlt.f32 v3, $1.000000000e+04  }
0x5f: {  	vm0 =	vmand vm0, vm15  }
0x60: {  	v3 =	vsel vm0, $0x3F800000, v2  }
.Ltmp2:
0x61: {  	[tilespmem:$0x6C0] =	vst v3;
	(pc) =	sbr.rel @p0 .LBB2_3-.Ltmp2, $4  }
0x62: {  	[hbm4b:s5+s2] =	stream.linear.scatter [tilespmem:s12], [sflag:$0x3], $0x10, $0x38;
	[tilespmem:$0x6D0] =	vst v63  }
0x63: {  	_ =	swait.ge [sflag:s13], $0x10  }
0x64: {  	[sflag:s13] =	ssyncset.done $0x0  }
0x65: {  	[sflag:s13] =	ssyncadd.s32 $0xFFFFFFF0  }
0x66: {  	[tilespmem:s9], [sflag:$0x3] =	stream.linear.gather [hbm4b:s6+s2], $0x280, $0x38;
	[tilespmem:$0x6D0] =	vst v63  }
0x67: {  	_ =	swait.ge [sflag:s13], $0x280  }
0x68: {  	[sflag:s13] =	ssyncset.done $0x0  }
0x69: {  	[sflag:s13] =	ssyncadd.s32 $0xFFFFFD80  }
0x6a: {  	v3 =	vld.idx.msk [tilespmem:v1+s2+$0x0], $0xffff;
	_ =	sdelay $0x4  }
0x6b: {  	v3 =	vtrunc.f32 v3  }
0x6c: {  	v6 =	vcvt.f32.s32 v3;
	_ =	sdelay $0x1  }
0x6d: {  	v3 =	vadd.s32 $0x100, v6;
	_ =	sdelay $0x4  }
0x6e: {  	v3 =	vld.idx.msk [tilespmem:v3+s2+$0x0], $0xffff  }
0x6f: {  	v42 =	vld [tilespmem:$0x440]  }
0x70: {  	v8 =	vld [tilespmem:$0x580]  }
0x71: {  	v9 =	vld [tilespmem:$0x450]  }
0x72: {  	v10 =	vld [tilespmem:$0x590]  }
0x73: {  	v11 =	vld [tilespmem:$0x460];
	v4 =	vtrunc.f32 v3  }
0x74: {  	v12 =	vld [tilespmem:$0x5A0];
	v4 =	vcvt.f32.s32 v4  }
0x75: {  	v13 =	vld [tilespmem:$0x470]  }
0x76: {  	v15 =	vld [tilespmem:$0x480]  }
0x77: {  	v16 =	vld [tilespmem:$0x490]  }
0x78: {  	v18 =	vld [tilespmem:$0x4A0]  }
0x79: {  	v55 =	vld [tilespmem:$0x4D0]  }
0x7a: {  	v7 =	vadd.s32 $0x80, v4;
	v5 =	vld.idx.msk [tilespmem:v4+s2+$0x0], $0xffff  }
0x7b: {  	v58 =	vld [tilespmem:$0x4E0]  }
0x7c: {  	v62 =	vld [tilespmem:$0x4F0]  }
0x7d: {  	v22 =	vld [tilespmem:$0x500]  }
0x7e: {  	v41 =	vld [tilespmem:$0x540]  }
0x7f: {  	v4 =	vld.idx.msk [tilespmem:v7+s2+$0x0], $0xffff;
	v7 =	vsub.f32 v5, v42;
	v9 =	vsub.f32 v5, v9  }
0x80: {  	v14 =	vld [tilespmem:$0x5B0];
	v11 =	vsub.f32 v5, v11;
	v13 =	vsub.f32 v5, v13  }
0x81: {  	v17 =	vld [tilespmem:$0x5D0];
	v15 =	vsub.f32 v5, v15;
	v52 =	vsub.f32 v5, v16  }
0x82: {  	v19 =	vld [tilespmem:$0x5E0];
	v54 =	vsub.f32 v5, v18;
	v20 =	vsub.f32 v5, v55  }
0x83: {  	v57 =	vld [tilespmem:$0x610];
	v26 =	vsub.f32 v5, v58;
	v32 =	vsub.f32 v5, v62  }
0x84: {  	v59 =	vld [tilespmem:$0x620];
	v35 =	vsub.f32 v5, v22;
	v18 =	vsub.f32 v5, v41  }
0x85: {  	v63 =	vld [tilespmem:$0x630];
	v8 =	vsub.f32 v4, v8;
	v10 =	vsub.f32 v4, v10  }
0x86: {  	v29 =	vld [tilespmem:$0x650];
	v55 =	vadd.s32 $0x140, v6;
	v12 =	vsub.f32 v4, v12;
	v14 =	vsub.f32 v4, v14  }
0x87: {  	v48 =	vld [tilespmem:$0x5F0];
	v6 =	vadd.s32 $0x180, v6;
	v53 =	vsub.f32 v4, v17;
	v56 =	vsub.f32 v4, v19  }
0x88: {  	v46 =	vld [tilespmem:$0x4B0];
	v21 =	vsub.f32 v4, v57;
	v7 =	vmul.f32 v7, v7;
	v9 =	vmul.f32 v9, v9  }
0x89: {  	v36 =	vld [tilespmem:$0x530];
	v28 =	vsub.f32 v4, v59;
	v11 =	vmul.f32 v11, v11;
	v44 =	vmul.f32 v13, v13  }
0x8a: {  	v39 =	vld [tilespmem:$0x670];
	v33 =	vsub.f32 v4, v63;
	v47 =	vmul.f32 v15, v15;
	v30 =	vmul.f32 v26, v26  }
0x8b: {  	v43 =	vld [tilespmem:$0x5C0];
	v40 =	vsub.f32 v4, v29;
	v37 =	vmul.f32 v32, v32;
	v59 =	vmul.f32 v18, v18  }
0x8c: {  	v50 =	vld [tilespmem:$0x4C0];
	v15 =	vsub.f32 v4, v48;
	v8 =	vmul.f32 v8, v8;
	v10 =	vmul.f32 v10, v10  }
0x8d: {  	v27 =	vld [tilespmem:$0x510];
	v12 =	vmul.f32 v12, v12;
	v45 =	vmul.f32 v14, v14;
	v14 =	vsub.f32 v5, v46  }
0x8e: {  	v34 =	vld [tilespmem:$0x660];
	v16 =	vmul.f32 v56, v56;
	v25 =	vmul.f32 v21, v21;
	v46 =	vsub.f32 v5, v36  }
0x8f: {  	v61 =	vmul.f32 v15, v15;
	v15 =	vsub.f32 v4, v39;
	v7 =	vadd.f32 v8, v7  }
0x90: {  	v38 =	vmul.f32 v33, v33;
	v8 =	vsub.f32 v4, v43;
	v9 =	vadd.f32 v10, v9  }
0x91: {  	v11 =	vadd.f32 v12, v11;
	v49 =	vadd.f32 v45, v44;
	v12 =	vmul.f32 v53, v53  }
0x92: {  	v51 =	vld [tilespmem:$0x600];
	v10 =	vsub.f32 v5, v50;
	v60 =	vmul.f32 v14, v14;
	v14 =	vsub.f32 v5, v27  }
0x93: {  	v31 =	vld [tilespmem:$0x520];
	v44 =	vsub.f32 v4, v34;
	v7 =	vmin.f32 v7, $3.399999950e+38;
	v8 =	vmul.f32 v8, v8  }
0x94: {  	v10 =	vmul.f32 v10, v10;
	v23 =	vadd.f32 v61, v60;
	v7 =	vmin.f32 v7, v9  }
0x95: {  	v43 =	vld [tilespmem:$0x680];
	v42 =	vmul.f32 v14, v14;
	v7 =	vmin.f32 v7, v11;
	v8 =	vadd.f32 v8, v47  }
0x96: {  	v9 =	vmul.f32 v52, v52;
	v52 =	vmul.f32 v15, v15;
	v7 =	vmin.f32 v7, v49  }
0x97: {  	v24 =	vld [tilespmem:$0x640];
	v11 =	vsub.f32 v4, v51;
	v7 =	vmin.f32 v7, v8;
	v8 =	vmul.f32 v54, v54  }
0x98: {  	v45 =	vld [tilespmem:$0x550];
	v51 =	vmul.f32 v46, v46;
	v9 =	vadd.f32 v12, v9;
	v12 =	vsub.f32 v5, v31  }
0x99: {  	v49 =	vmul.f32 v44, v44;
	v11 =	vmul.f32 v11, v11;
	v8 =	vadd.f32 v16, v8  }
0x9a: {  	v13 =	vsub.f32 v4, v43;
	v7 =	vmin.f32 v7, v9;
	v9 =	vmul.f32 v20, v20  }
0x9b: {  	v50 =	vld [tilespmem:$0x560];
	v10 =	vadd.f32 v11, v10;
	v7 =	vmin.f32 v7, v8;
	v8 =	vmul.f32 v28, v28  }
0x9c: {  	v53 =	vld [tilespmem:$0x570];
	v11 =	vsub.f32 v4, v24;
	v9 =	vadd.f32 v25, v9;
	v7 =	vmin.f32 v7, v23  }
0x9d: {  	v56 =	vld [tilespmem:$0x6B0];
	v57 =	vsub.f32 v5, v45;
	v7 =	vmin.f32 v7, v10;
	v8 =	vadd.f32 v8, v30  }
0x9e: {  	v47 =	vld [tilespmem:$0x690];
	v11 =	vmul.f32 v11, v11;
	v7 =	vmin.f32 v7, v9;
	v9 =	vmul.f32 v35, v35  }
0x9f: {  	v54 =	vld [tilespmem:$0x6A0];
	v10 =	vadd.f32 v38, v37;
	v7 =	vmin.f32 v7, v8;
	v8 =	vmul.f32 v40, v40  }
0xa0: {  	v14 =	vsub.f32 v5, v50;
	v48 =	vmul.f32 v12, v12;
	v9 =	vadd.f32 v11, v9  }
0xa1: {  	v5 =	vsub.f32 v5, v53;
	v7 =	vmin.f32 v7, v10;
	v8 =	vadd.f32 v8, v42  }
0xa2: {  	v13 =	vmul.f32 v13, v13;
	v11 =	vadd.f32 v49, v48;
	v7 =	vmin.f32 v7, v9  }
0xa3: {  	v58 =	vsub.f32 v4, v47;
	v9 =	vadd.f32 v52, v51;
	v7 =	vmin.f32 v7, v8  }
0xa4: {  	v8 =	vsub.f32 v4, v54;
	v4 =	vsub.f32 v4, v56;
	v7 =	vmin.f32 v7, v11  }
0xa5: {  	v6 =	vld.idx.msk [tilespmem:v6+s2+$0x0], $0xffff;
	v11 =	vmul.f32 v57, v57;
	v7 =	vmin.f32 v7, v9;
	v9 =	vmul.f32 v58, v58  }
0xa6: {  	v60 =	vld.idx.msk [tilespmem:v55+s2+$0x0], $0xffff;
	v62 =	vmul.f32 v14, v14;
	v61 =	vadd.f32 v13, v59;
	v8 =	vmul.f32 v8, v8  }
0xa7: {  	v5 =	vmul.f32 v5, v5;
	v4 =	vmul.f32 v4, v4;
	v9 =	vadd.f32 v9, v11  }
0xa8: {  	v7 =	vmin.f32 v7, v61;
	v8 =	vadd.f32 v8, v62  }
0xa9: {  	v4 =	vadd.f32 v4, v5;
	v7 =	vmin.f32 v7, v9  }
0xaa: {  	v63 =	vmin.f32 v7, v8  }
0xab: {  	vm0 =	vgt.f32 v6, $0.0e+00;
	vm1 =	vgt.f32 v60, v3;
	v3 =	vmin.f32 v63, v4  }
0xac: {  	vm0 =	vmand vm1, vm0;
	vm15 =	vlt.f32 v3, $1.000000000e+04  }
0xad: {  	vm0 =	vmand vm0, vm15  }
0xae: {  	v3 =	vsel vm0, $0x3F800000, v2  }
.Ltmp3:
0xaf: {  	[tilespmem:$0x6C0] =	vst v3;
	(pc) =	sbr.rel .LBB2_3-.Ltmp3, $4  }
0xb0: {  	[hbm4b:s7+s2] =	stream.linear.scatter [tilespmem:s12], [sflag:$0x3], $0x10, $0x38;
	[tilespmem:$0x6D0] =	vst v63  }
0xb1: {  	_ =	swait.ge [sflag:s13], $0x10  }
0xb2: {  	[sflag:s13] =	ssyncset.done $0x0  }
0xb3: {  	[sflag:s13] =	ssyncadd.s32 $0xFFFFFFF0  }
.LBB2_4:
0xb4: {  	_ =	sfence.sel $0x180000  }
0xb5: {  	[bflag:$0x0] =	sbarrier.arrive $0xFFFF  }
0xb6: {  	p0 =	sne.s32 s1, $0x0;
	_ =	strace $0x90000047  }
0xb7: {  	s0 =	sadd.s32 @!p0 $0x100000, s0;
	[bflag:$0x2] =	sbarrier.arrive $0xFFFF  }
0xb8: {  	[sflag:s0] =	ssyncadd.tile.s32 @!p0 $0x1;
	_ =	shalt  }
.Lfunc_end2:
_tile_overlayer_lowered:
.L_overlay_start_2:
0xb9: {  	(tag) =	ssettag $0x2  }
0xba: {  	s0 =	rddreg [dreg:$0x0];
	s2 =	stileid.u32  }
0xbb: {  	s1 =	rddreg [dreg:$0x1];
	p0 =	sne.s32 s2, $0x0  }
0xbc: {  	s3 =	rddreg [dreg:$0x2];
	[bflag:$0x3] =	sbarrier.arrive $0xFFFF;
	s2 =	simm.s32 @!p0 $0x1C03  }
0xbd: {  	[timem:s3], [sflag:s2] =	dma.local @!p0 [hbm:s0], s1  }
0xbe: {  	s0 =	simm.s32 @!p0 $0x3  }
0xbf: {  	_ =	swait.ge @!p0 [sflag:s0], s1  }
0xc0: {  	s1 =	ssub.s32 @!p0 $0x0, s1;
	[sflag:s0] =	ssyncset.done @!p0 $0x0  }
0xc1: {  	[sflag:s0] =	ssyncadd.s32 @!p0 s1  }
0xc2: {  	[bflag:$0x3] =	sbarrier.arrive $0xFFFF  }
0xc3: {  	_ =	shalt  }

</sc_bundles>
